<compile_context>
chip_gen: v7x
topology: tpu7x:2x2x1
jax: 0.10.2.dev20260603
libtpu: 0.0.44.dev20260713+nightly
codegen_flags: <defaults>
</compile_context>

<pallas_src>
import functools

import jax
import jax.numpy as jnp
from jax import lax
from jax.experimental import pallas as pl
from jax.experimental.pallas import tpu as pltpu
from jax.experimental.pallas import tpu_sc as plsc

NC, NS, L = 2, 16, 16
NW = NC * NS
B = 128
NLAB = 5 * 25 * 25
NPC = 2 * NLAB
NLOC = 4 * NLAB
BPW = B // NW
NCHUNK = (NLAB + L - 1) // L
NTOT = B * NLAB


def _sc_body(lab_hbm, pc_hbm, plc_hbm, ll_hbm, w_hbm, out_hbm,
             lab_v0, pc_v0, plc_v0, ll_v0, w_v0,
             lab_v1, pc_v1, plc_v1, ll_v1, w_v1,
             st_v, sem0, sem1):
    wid = lax.axis_index("s") * NC + lax.axis_index("c")
    bufs = ((lab_v0, pc_v0, plc_v0, ll_v0, w_v0),
            (lab_v1, pc_v1, plc_v1, ll_v1, w_v1))
    sems = (sem0, sem1)

    def start(i):
        b = wid * BPW + i
        lab_v, pc_v, plc_v, ll_v, w_v = bufs[i % 2]
        sem = sems[i % 2]
        return (pltpu.async_copy(lab_hbm.at[b], lab_v, sem),
                pltpu.async_copy(pc_hbm.at[b], pc_v, sem),
                pltpu.async_copy(plc_hbm.at[b], plc_v, sem),
                pltpu.async_copy(ll_hbm.at[b], ll_v, sem),
                pltpu.async_copy(w_hbm.at[b], w_v, sem))

    iota = lax.iota(jnp.int32, L)
    zeros = jnp.zeros((L,), jnp.float32)
    ones = jnp.ones((L,), jnp.float32)
    acc = (zeros, zeros, zeros, zeros)

    handles = start(0)
    for i in range(BPW):
        for h in handles:
            h.wait()
        if i + 1 < BPW:
            handles = start(i + 1)
        lab_v, pc_v, plc_v, ll_v, w_v = bufs[i % 2]

        def body(t, carry, lab_v=lab_v, pc_v=pc_v, plc_v=plc_v,
                 ll_v=ll_v, w_v=w_v):
            a_pos, a_neg, n_pos, a_loc = carry
            j0 = t * L
            lane = j0 + iota
            mask = lane < NLAB
            lab = lab_v[pl.ds(j0, L)]
            lab = jnp.where(mask, lab, -2)
            idx = jnp.where(mask, 2 * lane + lab, 0)
            logp = plsc.load_gather(pc_v, [idx])
            pos = lab == 1
            neg = lab == 0
            a_pos = a_pos + jnp.where(pos, logp, zeros)
            a_neg = a_neg + jnp.where(neg, logp, zeros)
            n_pos = n_pos + jnp.where(pos, ones, zeros)
            w = w_v[pl.ds(j0, L)]
            d = jnp.abs(plc_v[pl.ds(j0, L)] - ll_v[pl.ds(j0, L)])
            for c in range(1, 4):
                d = d + jnp.abs(plc_v[pl.ds(c * NLAB + j0, L)]
                                - ll_v[pl.ds(c * NLAB + j0, L)])
            a_loc = a_loc + jnp.where(mask, d * w, zeros)
            return a_pos, a_neg, n_pos, a_loc

        acc = lax.fori_loop(0, NCHUNK, body, acc)

    for c in range(4):
        st_v[c] = acc[c]
    pltpu.sync_copy(st_v, out_hbm.at[wid])


_sc_partials = functools.partial(
    pl.kernel,
    out_type=jax.ShapeDtypeStruct((NW, 4, L), jnp.float32),
    mesh=plsc.VectorSubcoreMesh(core_axis_name="c", subcore_axis_name="s"),
    compiler_params=pltpu.CompilerParams(needs_layout_passes=False),
    scratch_types=[
        pltpu.VMEM((NLAB,), jnp.int32),
        pltpu.VMEM((NPC,), jnp.float32),
        pltpu.VMEM((NLOC,), jnp.float32),
        pltpu.VMEM((NLOC,), jnp.float32),
        pltpu.VMEM((NLAB,), jnp.float32),
        pltpu.VMEM((NLAB,), jnp.int32),
        pltpu.VMEM((NPC,), jnp.float32),
        pltpu.VMEM((NLOC,), jnp.float32),
        pltpu.VMEM((NLOC,), jnp.float32),
        pltpu.VMEM((NLAB,), jnp.float32),
        pltpu.VMEM((4, L), jnp.float32),
        pltpu.SemaphoreType.DMA,
        pltpu.SemaphoreType.DMA,
    ],
)(_sc_body)


def _combine_body(p_ref, o_ref):
    p = p_ref[...]
    a_pos = jnp.sum(p[:, 0, :])
    a_neg = jnp.sum(p[:, 1, :])
    n_pos = jnp.sum(p[:, 2, :])
    a_loc = jnp.sum(p[:, 3, :])
    n_neg = float(NTOT) - n_pos
    loss_cls = 0.5 * (-a_pos / jnp.maximum(n_pos, 1.0)
                      - a_neg / jnp.maximum(n_neg, 1.0))
    o_ref[0, 0] = loss_cls + 1.2 * (a_loc / float(B))


_combine = pl.pallas_call(
    _combine_body,
    out_shape=jax.ShapeDtypeStruct((1, 1), jnp.float32),
    out_specs=pl.BlockSpec(memory_space=pltpu.SMEM),
)


def kernel(label_cls, label_loc, label_loc_weight, rpn_pred_cls, rpn_pred_loc):
    lab = label_cls.reshape(B, NLAB).astype(jnp.int32)
    pc = rpn_pred_cls.reshape(B, NPC)
    plc = rpn_pred_loc.reshape(B, NLOC)
    ll = label_loc.reshape(B, NLOC)
    w = label_loc_weight.reshape(B, NLAB)
    partials = _sc_partials(lab, pc, plc, ll, w)
    return _combine(partials)[0, 0]

# --- scband reference (transcript-rebuilt; emitter-appended) ---
"""Pipeline reference for scband-siam-mask-16544214024913 (READ-ONLY COPY).

The authoritative reference and input builder live on the scoring server;
editing this copy changes nothing except your own understanding.
"""

import jax, jax.numpy as jnp
import numpy as np


def setup_inputs(seed: int = 0) -> dict:
    key = jax.random.key(seed)
    ks = jax.random.split(key, 5)
    b, k, h, w = 128, 5, 25, 25
    # label_cls in {0,1}: 1 = positive anchor, 0 = negative anchor
    label_cls = jax.random.randint(ks[0], (b, k, h, w), 0, 2)
    label_loc = jax.random.normal(ks[1], (b, 4, k, h, w), dtype=jnp.float32)
    label_loc_weight = jax.random.uniform(ks[2], (b, k, h, w), dtype=jnp.float32)
    rpn_pred_cls = jax.random.normal(ks[3], (b, 2 * k, h, w), dtype=jnp.float32)
    rpn_pred_loc = jax.random.normal(ks[4], (b, 4 * k, h, w), dtype=jnp.float32)
    return {
        "label_cls": label_cls,
        "label_loc": label_loc,
        "label_loc_weight": label_loc_weight,
        "rpn_pred_cls": rpn_pred_cls,
        "rpn_pred_loc": rpn_pred_loc,
    }


def _select_cross_entropy_loss(pred_cls, label_cls):
    # pred viewed as [-1, 2] log-probabilities, label viewed as [-1]
    pred = pred_cls.reshape(-1, 2)
    label = label_cls.reshape(-1)
    idx = jnp.clip(label, 0, 1)
    logp = jnp.take_along_axis(pred, idx[:, None], axis=1)[:, 0]
    pos = (label == 1).astype(pred.dtype)
    neg = (label == 0).astype(pred.dtype)
    # nll_loss with mean reduction over the selected (pos / neg) indices
    loss_pos = -(logp * pos).sum() / jnp.maximum(pos.sum(), 1.0)
    loss_neg = -(logp * neg).sum() / jnp.maximum(neg.sum(), 1.0)
    return loss_pos * 0.5 + loss_neg * 0.5


def _weight_l1_loss(pred_loc, label_loc, loss_weight):
    b = pred_loc.shape[0]
    sh, sw = pred_loc.shape[2], pred_loc.shape[3]
    pl = pred_loc.reshape(b, 4, -1, sh, sw)
    diff = jnp.abs(pl - label_loc)
    diff = diff.sum(axis=1).reshape(b, -1, sh, sw)
    loss = diff * loss_weight
    return loss.sum() / b


def reference(label_cls, label_loc, label_loc_weight, rpn_pred_cls, rpn_pred_loc):
    rpn_loss_cls = _select_cross_entropy_loss(rpn_pred_cls, label_cls)
    rpn_loss_loc = _weight_l1_loss(rpn_pred_loc, label_loc, label_loc_weight)
    # SiamMask combines rpn losses with cls_weight=1.0, loc_weight=1.2
    return rpn_loss_cls + 1.2 * rpn_loss_loc

if __name__ == "__main__":
    import jax
    _d = setup_inputs()
    print(jax.jit(kernel)(*tuple(_d.values())))

</pallas_src>

<mosaic_0001>
#map = affine_map<(d0, d1) -> (0, 0)>
#map1 = affine_map<(d0, d1) -> (0, 0, 0)>
module attributes {stable_mosaic.version = 14 : i64} {
  func.func @_sc_body(%arg0: i32, %arg1: i32, %arg2: memref<128x3125xi32, #tpu.memory_space<hbm>>, %arg3: memref<128x6250xf32, #tpu.memory_space<hbm>>, %arg4: memref<128x12500xf32, #tpu.memory_space<hbm>>, %arg5: memref<128x12500xf32, #tpu.memory_space<hbm>>, %arg6: memref<128x3125xf32, #tpu.memory_space<hbm>>, %arg7: memref<32x4x16xf32, #tpu.memory_space<hbm>>, %arg8: memref<3125xi32, #tpu.memory_space<vmem>>, %arg9: memref<6250xf32, #tpu.memory_space<vmem>>, %arg10: memref<12500xf32, #tpu.memory_space<vmem>>, %arg11: memref<12500xf32, #tpu.memory_space<vmem>>, %arg12: memref<3125xf32, #tpu.memory_space<vmem>>, %arg13: memref<3125xi32, #tpu.memory_space<vmem>>, %arg14: memref<6250xf32, #tpu.memory_space<vmem>>, %arg15: memref<12500xf32, #tpu.memory_space<vmem>>, %arg16: memref<12500xf32, #tpu.memory_space<vmem>>, %arg17: memref<3125xf32, #tpu.memory_space<vmem>>, %arg18: memref<4x16xf32, #tpu.memory_space<vmem>>, %arg19: memref<!tpu.dma_semaphore, #tpu.memory_space<semaphore_mem>>, %arg20: memref<!tpu.dma_semaphore, #tpu.memory_space<semaphore_mem>>) attributes {dimension_semantics = [#tpu.dimension_semantics<core_parallel>, #tpu.dimension_semantics<subcore_parallel>], iteration_bounds = array<i64: 2, 16>, scalar_prefetch = 0 : i64, scratch_operands = 13 : i64, tpu.core_type = #tpu.core_type<sc_vector_subcore>, window_params = [{transform_indices = #map}, {transform_indices = #map}, {transform_indices = #map}, {transform_indices = #map}, {transform_indices = #map}, {transform_indices = #map1}]} {
    %mul3A = arith.constant 2 : i32
    %mul3A_0 = arith.muli %arg1, %mul3A : i32
    %add3A = arith.addi %mul3A_0, %arg0 : i32
    %iota3A = tpu.iota {dimensions = array<i32: 0>} : vector<16xi32>
    %broadcast_in_dim3A = arith.constant 0.000000e+00 : f32
    %broadcast_in_dim3A_1 = vector.broadcast %broadcast_in_dim3A : f32 to vector<16xf32>
    %broadcast_in_dim3A_2 = arith.constant 1.000000e+00 : f32
    %broadcast_in_dim3A_3 = vector.broadcast %broadcast_in_dim3A_2 : f32 to vector<16xf32>
    %mul3A_4 = arith.constant 4 : i32
    %mul3A_5 = arith.muli %add3A, %mul3A_4 : i32
    %add3A_6 = arith.constant 0 : i32
    %add3A_7 = arith.addi %mul3A_5, %add3A_6 : i32
    %dma_start3A = arith.constant 0 : i32
    %dma_start3A_8 = tpu.memref_slice %arg2[%add3A_7, %dma_start3A] : memref<128x3125xi32, #tpu.memory_space<hbm>> -> memref<1x3125xi32, #tpu.memory_space<hbm>>
    %dma_start3A_9 = tpu.memref_squeeze %dma_start3A_8 : memref<1x3125xi32, #tpu.memory_space<hbm>> -> memref<3125xi32, #tpu.memory_space<hbm>>
    %dma_start3A_10 = arith.constant 0 : i32
    %dma_start3A_11 = tpu.memref_slice %arg2[%add3A_7, %dma_start3A_10] : memref<128x3125xi32, #tpu.memory_space<hbm>> -> memref<1x3125xi32, #tpu.memory_space<hbm>>
    %dma_start3A_12 = tpu.memref_squeeze %dma_start3A_11 : memref<1x3125xi32, #tpu.memory_space<hbm>> -> memref<3125xi32, #tpu.memory_space<hbm>>
    tpu.enqueue_dma source(%dma_start3A_12 : memref<3125xi32, #tpu.memory_space<hbm>>) target(%arg8 : memref<3125xi32, #tpu.memory_space<vmem>>) target_semaphore(%arg19 : memref<!tpu.dma_semaphore, #tpu.memory_space<semaphore_mem>>)
    %dma_start3A_13 = arith.constant 0 : i32
    %dma_start3A_14 = tpu.memref_slice %arg3[%add3A_7, %dma_start3A_13] : memref<128x6250xf32, #tpu.memory_space<hbm>> -> memref<1x6250xf32, #tpu.memory_space<hbm>>
    %dma_start3A_15 = tpu.memref_squeeze %dma_start3A_14 : memref<1x6250xf32, #tpu.memory_space<hbm>> -> memref<6250xf32, #tpu.memory_space<hbm>>
    %dma_start3A_16 = arith.constant 0 : i32
    %dma_start3A_17 = tpu.memref_slice %arg3[%add3A_7, %dma_start3A_16] : memref<128x6250xf32, #tpu.memory_space<hbm>> -> memref<1x6250xf32, #tpu.memory_space<hbm>>
    %dma_start3A_18 = tpu.memref_squeeze %dma_start3A_17 : memref<1x6250xf32, #tpu.memory_space<hbm>> -> memref<6250xf32, #tpu.memory_space<hbm>>
    tpu.enqueue_dma source(%dma_start3A_18 : memref<6250xf32, #tpu.memory_space<hbm>>) target(%arg9 : memref<6250xf32, #tpu.memory_space<vmem>>) target_semaphore(%arg19 : memref<!tpu.dma_semaphore, #tpu.memory_space<semaphore_mem>>)
    %dma_start3A_19 = arith.constant 0 : i32
    %dma_start3A_20 = tpu.memref_slice %arg4[%add3A_7, %dma_start3A_19] : memref<128x12500xf32, #tpu.memory_space<hbm>> -> memref<1x12500xf32, #tpu.memory_space<hbm>>
    %dma_start3A_21 = tpu.memref_squeeze %dma_start3A_20 : memref<1x12500xf32, #tpu.memory_space<hbm>> -> memref<12500xf32, #tpu.memory_space<hbm>>
    %dma_start3A_22 = arith.constant 0 : i32
    %dma_start3A_23 = tpu.memref_slice %arg4[%add3A_7, %dma_start3A_22] : memref<128x12500xf32, #tpu.memory_space<hbm>> -> memref<1x12500xf32, #tpu.memory_space<hbm>>
    %dma_start3A_24 = tpu.memref_squeeze %dma_start3A_23 : memref<1x12500xf32, #tpu.memory_space<hbm>> -> memref<12500xf32, #tpu.memory_space<hbm>>
    tpu.enqueue_dma source(%dma_start3A_24 : memref<12500xf32, #tpu.memory_space<hbm>>) target(%arg10 : memref<12500xf32, #tpu.memory_space<vmem>>) target_semaphore(%arg19 : memref<!tpu.dma_semaphore, #tpu.memory_space<semaphore_mem>>)
    %dma_start3A_25 = arith.constant 0 : i32
    %dma_start3A_26 = tpu.memref_slice %arg5[%add3A_7, %dma_start3A_25] : memref<128x12500xf32, #tpu.memory_space<hbm>> -> memref<1x12500xf32, #tpu.memory_space<hbm>>
    %dma_start3A_27 = tpu.memref_squeeze %dma_start3A_26 : memref<1x12500xf32, #tpu.memory_space<hbm>> -> memref<12500xf32, #tpu.memory_space<hbm>>
    %dma_start3A_28 = arith.constant 0 : i32
    %dma_start3A_29 = tpu.memref_slice %arg5[%add3A_7, %dma_start3A_28] : memref<128x12500xf32, #tpu.memory_space<hbm>> -> memref<1x12500xf32, #tpu.memory_space<hbm>>
    %dma_start3A_30 = tpu.memref_squeeze %dma_start3A_29 : memref<1x12500xf32, #tpu.memory_space<hbm>> -> memref<12500xf32, #tpu.memory_space<hbm>>
    tpu.enqueue_dma source(%dma_start3A_30 : memref<12500xf32, #tpu.memory_space<hbm>>) target(%arg11 : memref<12500xf32, #tpu.memory_space<vmem>>) target_semaphore(%arg19 : memref<!tpu.dma_semaphore, #tpu.memory_space<semaphore_mem>>)
    %dma_start3A_31 = arith.constant 0 : i32
    %dma_start3A_32 = tpu.memref_slice %arg6[%add3A_7, %dma_start3A_31] : memref<128x3125xf32, #tpu.memory_space<hbm>> -> memref<1x3125xf32, #tpu.memory_space<hbm>>
    %dma_start3A_33 = tpu.memref_squeeze %dma_start3A_32 : memref<1x3125xf32, #tpu.memory_space<hbm>> -> memref<3125xf32, #tpu.memory_space<hbm>>
    %dma_start3A_34 = arith.constant 0 : i32
    %dma_start3A_35 = tpu.memref_slice %arg6[%add3A_7, %dma_start3A_34] : memref<128x3125xf32, #tpu.memory_space<hbm>> -> memref<1x3125xf32, #tpu.memory_space<hbm>>
    %dma_start3A_36 = tpu.memref_squeeze %dma_start3A_35 : memref<1x3125xf32, #tpu.memory_space<hbm>> -> memref<3125xf32, #tpu.memory_space<hbm>>
    tpu.enqueue_dma source(%dma_start3A_36 : memref<3125xf32, #tpu.memory_space<hbm>>) target(%arg12 : memref<3125xf32, #tpu.memory_space<vmem>>) target_semaphore(%arg19 : memref<!tpu.dma_semaphore, #tpu.memory_space<semaphore_mem>>)
    %dma_wait3A = arith.constant 0 : i32
    %dma_wait3A_37 = tpu.memref_slice %arg2[%add3A_7, %dma_wait3A] : memref<128x3125xi32, #tpu.memory_space<hbm>> -> memref<1x3125xi32, #tpu.memory_space<hbm>>
    %dma_wait3A_38 = tpu.memref_squeeze %dma_wait3A_37 : memref<1x3125xi32, #tpu.memory_space<hbm>> -> memref<3125xi32, #tpu.memory_space<hbm>>
    %dma_wait3A_39 = arith.constant 0 : i32
    %dma_wait3A_40 = tpu.memref_slice %arg2[%add3A_7, %dma_wait3A_39] : memref<128x3125xi32, #tpu.memory_space<hbm>> -> memref<1x3125xi32, #tpu.memory_space<hbm>>
    %dma_wait3A_41 = tpu.memref_squeeze %dma_wait3A_40 : memref<1x3125xi32, #tpu.memory_space<hbm>> -> memref<3125xi32, #tpu.memory_space<hbm>>
    tpu.wait_dma2 semaphore(%arg19 : memref<!tpu.dma_semaphore, #tpu.memory_space<semaphore_mem>>) src(%dma_wait3A_41 : memref<3125xi32, #tpu.memory_space<hbm>>) dst(%arg8 : memref<3125xi32, #tpu.memory_space<vmem>>)
    %dma_wait3A_42 = arith.constant 0 : i32
    %dma_wait3A_43 = tpu.memref_slice %arg3[%add3A_7, %dma_wait3A_42] : memref<128x6250xf32, #tpu.memory_space<hbm>> -> memref<1x6250xf32, #tpu.memory_space<hbm>>
    %dma_wait3A_44 = tpu.memref_squeeze %dma_wait3A_43 : memref<1x6250xf32, #tpu.memory_space<hbm>> -> memref<6250xf32, #tpu.memory_space<hbm>>
    %dma_wait3A_45 = arith.constant 0 : i32
    %dma_wait3A_46 = tpu.memref_slice %arg3[%add3A_7, %dma_wait3A_45] : memref<128x6250xf32, #tpu.memory_space<hbm>> -> memref<1x6250xf32, #tpu.memory_space<hbm>>
    %dma_wait3A_47 = tpu.memref_squeeze %dma_wait3A_46 : memref<1x6250xf32, #tpu.memory_space<hbm>> -> memref<6250xf32, #tpu.memory_space<hbm>>
    tpu.wait_dma2 semaphore(%arg19 : memref<!tpu.dma_semaphore, #tpu.memory_space<semaphore_mem>>) src(%dma_wait3A_47 : memref<6250xf32, #tpu.memory_space<hbm>>) dst(%arg9 : memref<6250xf32, #tpu.memory_space<vmem>>)
    %dma_wait3A_48 = arith.constant 0 : i32
    %dma_wait3A_49 = tpu.memref_slice %arg4[%add3A_7, %dma_wait3A_48] : memref<128x12500xf32, #tpu.memory_space<hbm>> -> memref<1x12500xf32, #tpu.memory_space<hbm>>
    %dma_wait3A_50 = tpu.memref_squeeze %dma_wait3A_49 : memref<1x12500xf32, #tpu.memory_space<hbm>> -> memref<12500xf32, #tpu.memory_space<hbm>>
    %dma_wait3A_51 = arith.constant 0 : i32
    %dma_wait3A_52 = tpu.memref_slice %arg4[%add3A_7, %dma_wait3A_51] : memref<128x12500xf32, #tpu.memory_space<hbm>> -> memref<1x12500xf32, #tpu.memory_space<hbm>>
    %dma_wait3A_53 = tpu.memref_squeeze %dma_wait3A_52 : memref<1x12500xf32, #tpu.memory_space<hbm>> -> memref<12500xf32, #tpu.memory_space<hbm>>
    tpu.wait_dma2 semaphore(%arg19 : memref<!tpu.dma_semaphore, #tpu.memory_space<semaphore_mem>>) src(%dma_wait3A_53 : memref<12500xf32, #tpu.memory_space<hbm>>) dst(%arg10 : memref<12500xf32, #tpu.memory_space<vmem>>)
    %dma_wait3A_54 = arith.constant 0 : i32
    %dma_wait3A_55 = tpu.memref_slice %arg5[%add3A_7, %dma_wait3A_54] : memref<128x12500xf32, #tpu.memory_space<hbm>> -> memref<1x12500xf32, #tpu.memory_space<hbm>>
    %dma_wait3A_56 = tpu.memref_squeeze %dma_wait3A_55 : memref<1x12500xf32, #tpu.memory_space<hbm>> -> memref<12500xf32, #tpu.memory_space<hbm>>
    %dma_wait3A_57 = arith.constant 0 : i32
    %dma_wait3A_58 = tpu.memref_slice %arg5[%add3A_7, %dma_wait3A_57] : memref<128x12500xf32, #tpu.memory_space<hbm>> -> memref<1x12500xf32, #tpu.memory_space<hbm>>
    %dma_wait3A_59 = tpu.memref_squeeze %dma_wait3A_58 : memref<1x12500xf32, #tpu.memory_space<hbm>> -> memref<12500xf32, #tpu.memory_space<hbm>>
    tpu.wait_dma2 semaphore(%arg19 : memref<!tpu.dma_semaphore, #tpu.memory_space<semaphore_mem>>) src(%dma_wait3A_59 : memref<12500xf32, #tpu.memory_space<hbm>>) dst(%arg11 : memref<12500xf32, #tpu.memory_space<vmem>>)
    %dma_wait3A_60 = arith.constant 0 : i32
    %dma_wait3A_61 = tpu.memref_slice %arg6[%add3A_7, %dma_wait3A_60] : memref<128x3125xf32, #tpu.memory_space<hbm>> -> memref<1x3125xf32, #tpu.memory_space<hbm>>
    %dma_wait3A_62 = tpu.memref_squeeze %dma_wait3A_61 : memref<1x3125xf32, #tpu.memory_space<hbm>> -> memref<3125xf32, #tpu.memory_space<hbm>>
    %dma_wait3A_63 = arith.constant 0 : i32
    %dma_wait3A_64 = tpu.memref_slice %arg6[%add3A_7, %dma_wait3A_63] : memref<128x3125xf32, #tpu.memory_space<hbm>> -> memref<1x3125xf32, #tpu.memory_space<hbm>>
    %dma_wait3A_65 = tpu.memref_squeeze %dma_wait3A_64 : memref<1x3125xf32, #tpu.memory_space<hbm>> -> memref<3125xf32, #tpu.memory_space<hbm>>
    tpu.wait_dma2 semaphore(%arg19 : memref<!tpu.dma_semaphore, #tpu.memory_space<semaphore_mem>>) src(%dma_wait3A_65 : memref<3125xf32, #tpu.memory_space<hbm>>) dst(%arg12 : memref<3125xf32, #tpu.memory_space<vmem>>)
    %mul3A_66 = arith.constant 4 : i32
    %mul3A_67 = arith.muli %add3A, %mul3A_66 : i32
    %add3A_68 = arith.constant 1 : i32
    %add3A_69 = arith.addi %mul3A_67, %add3A_68 : i32
    %dma_start3A_70 = arith.constant 0 : i32
    %dma_start3A_71 = tpu.memref_slice %arg2[%add3A_69, %dma_start3A_70] : memref<128x3125xi32, #tpu.memory_space<hbm>> -> memref<1x3125xi32, #tpu.memory_space<hbm>>
    %dma_start3A_72 = tpu.memref_squeeze %dma_start3A_71 : memref<1x3125xi32, #tpu.memory_space<hbm>> -> memref<3125xi32, #tpu.memory_space<hbm>>
    %dma_start3A_73 = arith.constant 0 : i32
    %dma_start3A_74 = tpu.memref_slice %arg2[%add3A_69, %dma_start3A_73] : memref<128x3125xi32, #tpu.memory_space<hbm>> -> memref<1x3125xi32, #tpu.memory_space<hbm>>
    %dma_start3A_75 = tpu.memref_squeeze %dma_start3A_74 : memref<1x3125xi32, #tpu.memory_space<hbm>> -> memref<3125xi32, #tpu.memory_space<hbm>>
    tpu.enqueue_dma source(%dma_start3A_75 : memref<3125xi32, #tpu.memory_space<hbm>>) target(%arg13 : memref<3125xi32, #tpu.memory_space<vmem>>) target_semaphore(%arg20 : memref<!tpu.dma_semaphore, #tpu.memory_space<semaphore_mem>>)
    %dma_start3A_76 = arith.constant 0 : i32
    %dma_start3A_77 = tpu.memref_slice %arg3[%add3A_69, %dma_start3A_76] : memref<128x6250xf32, #tpu.memory_space<hbm>> -> memref<1x6250xf32, #tpu.memory_space<hbm>>
    %dma_start3A_78 = tpu.memref_squeeze %dma_start3A_77 : memref<1x6250xf32, #tpu.memory_space<hbm>> -> memref<6250xf32, #tpu.memory_space<hbm>>
    %dma_start3A_79 = arith.constant 0 : i32
    %dma_start3A_80 = tpu.memref_slice %arg3[%add3A_69, %dma_start3A_79] : memref<128x6250xf32, #tpu.memory_space<hbm>> -> memref<1x6250xf32, #tpu.memory_space<hbm>>
    %dma_start3A_81 = tpu.memref_squeeze %dma_start3A_80 : memref<1x6250xf32, #tpu.memory_space<hbm>> -> memref<6250xf32, #tpu.memory_space<hbm>>
    tpu.enqueue_dma source(%dma_start3A_81 : memref<6250xf32, #tpu.memory_space<hbm>>) target(%arg14 : memref<6250xf32, #tpu.memory_space<vmem>>) target_semaphore(%arg20 : memref<!tpu.dma_semaphore, #tpu.memory_space<semaphore_mem>>)
    %dma_start3A_82 = arith.constant 0 : i32
    %dma_start3A_83 = tpu.memref_slice %arg4[%add3A_69, %dma_start3A_82] : memref<128x12500xf32, #tpu.memory_space<hbm>> -> memref<1x12500xf32, #tpu.memory_space<hbm>>
    %dma_start3A_84 = tpu.memref_squeeze %dma_start3A_83 : memref<1x12500xf32, #tpu.memory_space<hbm>> -> memref<12500xf32, #tpu.memory_space<hbm>>
    %dma_start3A_85 = arith.constant 0 : i32
    %dma_start3A_86 = tpu.memref_slice %arg4[%add3A_69, %dma_start3A_85] : memref<128x12500xf32, #tpu.memory_space<hbm>> -> memref<1x12500xf32, #tpu.memory_space<hbm>>
    %dma_start3A_87 = tpu.memref_squeeze %dma_start3A_86 : memref<1x12500xf32, #tpu.memory_space<hbm>> -> memref<12500xf32, #tpu.memory_space<hbm>>
    tpu.enqueue_dma source(%dma_start3A_87 : memref<12500xf32, #tpu.memory_space<hbm>>) target(%arg15 : memref<12500xf32, #tpu.memory_space<vmem>>) target_semaphore(%arg20 : memref<!tpu.dma_semaphore, #tpu.memory_space<semaphore_mem>>)
    %dma_start3A_88 = arith.constant 0 : i32
    %dma_start3A_89 = tpu.memref_slice %arg5[%add3A_69, %dma_start3A_88] : memref<128x12500xf32, #tpu.memory_space<hbm>> -> memref<1x12500xf32, #tpu.memory_space<hbm>>
    %dma_start3A_90 = tpu.memref_squeeze %dma_start3A_89 : memref<1x12500xf32, #tpu.memory_space<hbm>> -> memref<12500xf32, #tpu.memory_space<hbm>>
    %dma_start3A_91 = arith.constant 0 : i32
    %dma_start3A_92 = tpu.memref_slice %arg5[%add3A_69, %dma_start3A_91] : memref<128x12500xf32, #tpu.memory_space<hbm>> -> memref<1x12500xf32, #tpu.memory_space<hbm>>
    %dma_start3A_93 = tpu.memref_squeeze %dma_start3A_92 : memref<1x12500xf32, #tpu.memory_space<hbm>> -> memref<12500xf32, #tpu.memory_space<hbm>>
    tpu.enqueue_dma source(%dma_start3A_93 : memref<12500xf32, #tpu.memory_space<hbm>>) target(%arg16 : memref<12500xf32, #tpu.memory_space<vmem>>) target_semaphore(%arg20 : memref<!tpu.dma_semaphore, #tpu.memory_space<semaphore_mem>>)
    %dma_start3A_94 = arith.constant 0 : i32
    %dma_start3A_95 = tpu.memref_slice %arg6[%add3A_69, %dma_start3A_94] : memref<128x3125xf32, #tpu.memory_space<hbm>> -> memref<1x3125xf32, #tpu.memory_space<hbm>>
    %dma_start3A_96 = tpu.memref_squeeze %dma_start3A_95 : memref<1x3125xf32, #tpu.memory_space<hbm>> -> memref<3125xf32, #tpu.memory_space<hbm>>
    %dma_start3A_97 = arith.constant 0 : i32
    %dma_start3A_98 = tpu.memref_slice %arg6[%add3A_69, %dma_start3A_97] : memref<128x3125xf32, #tpu.memory_space<hbm>> -> memref<1x3125xf32, #tpu.memory_space<hbm>>
    %dma_start3A_99 = tpu.memref_squeeze %dma_start3A_98 : memref<1x3125xf32, #tpu.memory_space<hbm>> -> memref<3125xf32, #tpu.memory_space<hbm>>
    tpu.enqueue_dma source(%dma_start3A_99 : memref<3125xf32, #tpu.memory_space<hbm>>) target(%arg17 : memref<3125xf32, #tpu.memory_space<vmem>>) target_semaphore(%arg20 : memref<!tpu.dma_semaphore, #tpu.memory_space<semaphore_mem>>)
    %scan3A = arith.constant 0 : i32
    %scan3A_100 = arith.constant 196 : i32
    %scan3A_101 = arith.addi %scan3A, %scan3A_100 : i32
    %scan3A_102 = arith.constant 1 : i32
    %scan3A_103:4 = scf.for %scan3A_296 = %scan3A to %scan3A_101 step %scan3A_102 iter_args(%scan3A_297 = %broadcast_in_dim3A_1, %scan3A_298 = %broadcast_in_dim3A_1, %scan3A_299 = %broadcast_in_dim3A_1, %scan3A_300 = %broadcast_in_dim3A_1) -> (vector<16xf32>, vector<16xf32>, vector<16xf32>, vector<16xf32>)  : i32 {
      %mul3A_301 = arith.constant 16 : i32
      %mul3A_302 = arith.muli %scan3A_296, %mul3A_301 : i32
      %add3A_303 = vector.broadcast %mul3A_302 : i32 to vector<16xi32>
      %add3A_304 = arith.addi %add3A_303, %iota3A : vector<16xi32>
      %lt3A = arith.constant 3125 : i32
      %lt3A_305 = vector.broadcast %lt3A : i32 to vector<16xi32>
      %lt3A_306 = arith.cmpi slt, %add3A_304, %lt3A_305 : vector<16xi32>
      %get3A = arith.index_cast %mul3A_302 : i32 to index
      %get3A_307 = tpu.vector_load %arg8[%get3A] {strides = array<i32>} : memref<3125xi32, #tpu.memory_space<vmem>>, vector<16xi32>,
      %jit3A = arith.constant -2 : i32
      %broadcast_in_dim3A_308 = vector.broadcast %jit3A : i32 to vector<16xi32>
      %select_n3A = arith.select %lt3A_306, %get3A_307, %broadcast_in_dim3A_308 : vector<16xi1>, vector<16xi32>
      %mul3A_309 = arith.constant 2 : i32
      %mul3A_310 = vector.broadcast %mul3A_309 : i32 to vector<16xi32>
      %mul3A_311 = arith.muli %mul3A_310, %add3A_304 : vector<16xi32>
      %add3A_312 = arith.addi %mul3A_311, %select_n3A : vector<16xi32>
      %jit3A_313 = arith.constant 0 : i32
      %broadcast_in_dim3A_314 = vector.broadcast %jit3A_313 : i32 to vector<16xi32>
      %select_n3A_315 = arith.select %lt3A_306, %add3A_312, %broadcast_in_dim3A_314 : vector<16xi1>, vector<16xi32>
      %gather3A = tpu.vector_load_idx %arg9[%select_n3A_315] : memref<6250xf32, #tpu.memory_space<vmem>>[vector<16xi32>], vector<16xf32>,
      %eq3A = arith.constant 1 : i32
      %eq3A_316 = vector.broadcast %eq3A : i32 to vector<16xi32>
      %eq3A_317 = arith.cmpi eq, %select_n3A, %eq3A_316 : vector<16xi32>
      %eq3A_318 = arith.constant 0 : i32
      %eq3A_319 = vector.broadcast %eq3A_318 : i32 to vector<16xi32>
      %eq3A_320 = arith.cmpi eq, %select_n3A, %eq3A_319 : vector<16xi32>
      %select_n3A_321 = arith.select %eq3A_317, %gather3A, %broadcast_in_dim3A_1 : vector<16xi1>, vector<16xf32>
      %add3A_322 = arith.addf %scan3A_297, %select_n3A_321 : vector<16xf32>
      %select_n3A_323 = arith.select %eq3A_320, %gather3A, %broadcast_in_dim3A_1 : vector<16xi1>, vector<16xf32>
      %add3A_324 = arith.addf %scan3A_298, %select_n3A_323 : vector<16xf32>
      %select_n3A_325 = arith.select %eq3A_317, %broadcast_in_dim3A_3, %broadcast_in_dim3A_1 : vector<16xi1>, vector<16xf32>
      %add3A_326 = arith.addf %scan3A_299, %select_n3A_325 : vector<16xf32>
      %get3A_327 = arith.index_cast %mul3A_302 : i32 to index
      %get3A_328 = tpu.vector_load %arg12[%get3A_327] {strides = array<i32>} : memref<3125xf32, #tpu.memory_space<vmem>>, vector<16xf32>,
      %get3A_329 = arith.index_cast %mul3A_302 : i32 to index
      %get3A_330 = tpu.vector_load %arg10[%get3A_329] {strides = array<i32>} : memref<12500xf32, #tpu.memory_space<vmem>>, vector<16xf32>,
      %get3A_331 = arith.index_cast %mul3A_302 : i32 to index
      %get3A_332 = tpu.vector_load %arg11[%get3A_331] {strides = array<i32>} : memref<12500xf32, #tpu.memory_space<vmem>>, vector<16xf32>,
      %sub3A = arith.subf %get3A_330, %get3A_332 : vector<16xf32>
      %abs3A = math.absf %sub3A : vector<16xf32>
      %add3A_333 = arith.constant 3125 : i32
      %add3A_334 = arith.addi %add3A_333, %mul3A_302 : i32
      %get3A_335 = arith.index_cast %add3A_334 : i32 to index
      %get3A_336 = tpu.vector_load %arg10[%get3A_335] {strides = array<i32>} : memref<12500xf32, #tpu.memory_space<vmem>>, vector<16xf32>,
      %add3A_337 = arith.constant 3125 : i32
      %add3A_338 = arith.addi %add3A_337, %mul3A_302 : i32
      %get3A_339 = arith.index_cast %add3A_338 : i32 to index
      %get3A_340 = tpu.vector_load %arg11[%get3A_339] {strides = array<i32>} : memref<12500xf32, #tpu.memory_space<vmem>>, vector<16xf32>,
      %sub3A_341 = arith.subf %get3A_336, %get3A_340 : vector<16xf32>
      %abs3A_342 = math.absf %sub3A_341 : vector<16xf32>
      %add3A_343 = arith.addf %abs3A, %abs3A_342 : vector<16xf32>
      %add3A_344 = arith.constant 6250 : i32
      %add3A_345 = arith.addi %add3A_344, %mul3A_302 : i32
      %get3A_346 = arith.index_cast %add3A_345 : i32 to index
      %get3A_347 = tpu.vector_load %arg10[%get3A_346] {strides = array<i32>} : memref<12500xf32, #tpu.memory_space<vmem>>, vector<16xf32>,
      %add3A_348 = arith.constant 6250 : i32
      %add3A_349 = arith.addi %add3A_348, %mul3A_302 : i32
      %get3A_350 = arith.index_cast %add3A_349 : i32 to index
      %get3A_351 = tpu.vector_load %arg11[%get3A_350] {strides = array<i32>} : memref<12500xf32, #tpu.memory_space<vmem>>, vector<16xf32>,
      %sub3A_352 = arith.subf %get3A_347, %get3A_351 : vector<16xf32>
      %abs3A_353 = math.absf %sub3A_352 : vector<16xf32>
      %add3A_354 = arith.addf %add3A_343, %abs3A_353 : vector<16xf32>
      %add3A_355 = arith.constant 9375 : i32
      %add3A_356 = arith.addi %add3A_355, %mul3A_302 : i32
      %get3A_357 = arith.index_cast %add3A_356 : i32 to index
      %get3A_358 = tpu.vector_load %arg10[%get3A_357] {strides = array<i32>} : memref<12500xf32, #tpu.memory_space<vmem>>, vector<16xf32>,
      %add3A_359 = arith.constant 9375 : i32
      %add3A_360 = arith.addi %add3A_359, %mul3A_302 : i32
      %get3A_361 = arith.index_cast %add3A_360 : i32 to index
      %get3A_362 = tpu.vector_load %arg11[%get3A_361] {strides = array<i32>} : memref<12500xf32, #tpu.memory_space<vmem>>, vector<16xf32>,
      %sub3A_363 = arith.subf %get3A_358, %get3A_362 : vector<16xf32>
      %abs3A_364 = math.absf %sub3A_363 : vector<16xf32>
      %add3A_365 = arith.addf %add3A_354, %abs3A_364 : vector<16xf32>
      %mul3A_366 = arith.mulf %add3A_365, %get3A_328 : vector<16xf32>
      %select_n3A_367 = arith.select %lt3A_306, %mul3A_366, %broadcast_in_dim3A_1 : vector<16xi1>, vector<16xf32>
      %add3A_368 = arith.addf %scan3A_300, %select_n3A_367 : vector<16xf32>
      scf.yield %add3A_322, %add3A_324, %add3A_326, %add3A_368 : vector<16xf32>, vector<16xf32>, vector<16xf32>, vector<16xf32>
    }
    %scan3A_104 = arith.constant 196 : i32
    %dma_wait3A_105 = arith.constant 0 : i32
    %dma_wait3A_106 = tpu.memref_slice %arg2[%add3A_69, %dma_wait3A_105] : memref<128x3125xi32, #tpu.memory_space<hbm>> -> memref<1x3125xi32, #tpu.memory_space<hbm>>
    %dma_wait3A_107 = tpu.memref_squeeze %dma_wait3A_106 : memref<1x3125xi32, #tpu.memory_space<hbm>> -> memref<3125xi32, #tpu.memory_space<hbm>>
    %dma_wait3A_108 = arith.constant 0 : i32
    %dma_wait3A_109 = tpu.memref_slice %arg2[%add3A_69, %dma_wait3A_108] : memref<128x3125xi32, #tpu.memory_space<hbm>> -> memref<1x3125xi32, #tpu.memory_space<hbm>>
    %dma_wait3A_110 = tpu.memref_squeeze %dma_wait3A_109 : memref<1x3125xi32, #tpu.memory_space<hbm>> -> memref<3125xi32, #tpu.memory_space<hbm>>
    tpu.wait_dma2 semaphore(%arg20 : memref<!tpu.dma_semaphore, #tpu.memory_space<semaphore_mem>>) src(%dma_wait3A_110 : memref<3125xi32, #tpu.memory_space<hbm>>) dst(%arg13 : memref<3125xi32, #tpu.memory_space<vmem>>)
    %dma_wait3A_111 = arith.constant 0 : i32
    %dma_wait3A_112 = tpu.memref_slice %arg3[%add3A_69, %dma_wait3A_111] : memref<128x6250xf32, #tpu.memory_space<hbm>> -> memref<1x6250xf32, #tpu.memory_space<hbm>>
    %dma_wait3A_113 = tpu.memref_squeeze %dma_wait3A_112 : memref<1x6250xf32, #tpu.memory_space<hbm>> -> memref<6250xf32, #tpu.memory_space<hbm>>
    %dma_wait3A_114 = arith.constant 0 : i32
    %dma_wait3A_115 = tpu.memref_slice %arg3[%add3A_69, %dma_wait3A_114] : memref<128x6250xf32, #tpu.memory_space<hbm>> -> memref<1x6250xf32, #tpu.memory_space<hbm>>
    %dma_wait3A_116 = tpu.memref_squeeze %dma_wait3A_115 : memref<1x6250xf32, #tpu.memory_space<hbm>> -> memref<6250xf32, #tpu.memory_space<hbm>>
    tpu.wait_dma2 semaphore(%arg20 : memref<!tpu.dma_semaphore, #tpu.memory_space<semaphore_mem>>) src(%dma_wait3A_116 : memref<6250xf32, #tpu.memory_space<hbm>>) dst(%arg14 : memref<6250xf32, #tpu.memory_space<vmem>>)
    %dma_wait3A_117 = arith.constant 0 : i32
    %dma_wait3A_118 = tpu.memref_slice %arg4[%add3A_69, %dma_wait3A_117] : memref<128x12500xf32, #tpu.memory_space<hbm>> -> memref<1x12500xf32, #tpu.memory_space<hbm>>
    %dma_wait3A_119 = tpu.memref_squeeze %dma_wait3A_118 : memref<1x12500xf32, #tpu.memory_space<hbm>> -> memref<12500xf32, #tpu.memory_space<hbm>>
    %dma_wait3A_120 = arith.constant 0 : i32
    %dma_wait3A_121 = tpu.memref_slice %arg4[%add3A_69, %dma_wait3A_120] : memref<128x12500xf32, #tpu.memory_space<hbm>> -> memref<1x12500xf32, #tpu.memory_space<hbm>>
    %dma_wait3A_122 = tpu.memref_squeeze %dma_wait3A_121 : memref<1x12500xf32, #tpu.memory_space<hbm>> -> memref<12500xf32, #tpu.memory_space<hbm>>
    tpu.wait_dma2 semaphore(%arg20 : memref<!tpu.dma_semaphore, #tpu.memory_space<semaphore_mem>>) src(%dma_wait3A_122 : memref<12500xf32, #tpu.memory_space<hbm>>) dst(%arg15 : memref<12500xf32, #tpu.memory_space<vmem>>)
    %dma_wait3A_123 = arith.constant 0 : i32
    %dma_wait3A_124 = tpu.memref_slice %arg5[%add3A_69, %dma_wait3A_123] : memref<128x12500xf32, #tpu.memory_space<hbm>> -> memref<1x12500xf32, #tpu.memory_space<hbm>>
    %dma_wait3A_125 = tpu.memref_squeeze %dma_wait3A_124 : memref<1x12500xf32, #tpu.memory_space<hbm>> -> memref<12500xf32, #tpu.memory_space<hbm>>
    %dma_wait3A_126 = arith.constant 0 : i32
    %dma_wait3A_127 = tpu.memref_slice %arg5[%add3A_69, %dma_wait3A_126] : memref<128x12500xf32, #tpu.memory_space<hbm>> -> memref<1x12500xf32, #tpu.memory_space<hbm>>
    %dma_wait3A_128 = tpu.memref_squeeze %dma_wait3A_127 : memref<1x12500xf32, #tpu.memory_space<hbm>> -> memref<12500xf32, #tpu.memory_space<hbm>>
    tpu.wait_dma2 semaphore(%arg20 : memref<!tpu.dma_semaphore, #tpu.memory_space<semaphore_mem>>) src(%dma_wait3A_128 : memref<12500xf32, #tpu.memory_space<hbm>>) dst(%arg16 : memref<12500xf32, #tpu.memory_space<vmem>>)
    %dma_wait3A_129 = arith.constant 0 : i32
    %dma_wait3A_130 = tpu.memref_slice %arg6[%add3A_69, %dma_wait3A_129] : memref<128x3125xf32, #tpu.memory_space<hbm>> -> memref<1x3125xf32, #tpu.memory_space<hbm>>
    %dma_wait3A_131 = tpu.memref_squeeze %dma_wait3A_130 : memref<1x3125xf32, #tpu.memory_space<hbm>> -> memref<3125xf32, #tpu.memory_space<hbm>>
    %dma_wait3A_132 = arith.constant 0 : i32
    %dma_wait3A_133 = tpu.memref_slice %arg6[%add3A_69, %dma_wait3A_132] : memref<128x3125xf32, #tpu.memory_space<hbm>> -> memref<1x3125xf32, #tpu.memory_space<hbm>>
    %dma_wait3A_134 = tpu.memref_squeeze %dma_wait3A_133 : memref<1x3125xf32, #tpu.memory_space<hbm>> -> memref<3125xf32, #tpu.memory_space<hbm>>
    tpu.wait_dma2 semaphore(%arg20 : memref<!tpu.dma_semaphore, #tpu.memory_space<semaphore_mem>>) src(%dma_wait3A_134 : memref<3125xf32, #tpu.memory_space<hbm>>) dst(%arg17 : memref<3125xf32, #tpu.memory_space<vmem>>)
    %mul3A_135 = arith.constant 4 : i32
    %mul3A_136 = arith.muli %add3A, %mul3A_135 : i32
    %add3A_137 = arith.constant 2 : i32
    %add3A_138 = arith.addi %mul3A_136, %add3A_137 : i32
    %dma_start3A_139 = arith.constant 0 : i32
    %dma_start3A_140 = tpu.memref_slice %arg2[%add3A_138, %dma_start3A_139] : memref<128x3125xi32, #tpu.memory_space<hbm>> -> memref<1x3125xi32, #tpu.memory_space<hbm>>
    %dma_start3A_141 = tpu.memref_squeeze %dma_start3A_140 : memref<1x3125xi32, #tpu.memory_space<hbm>> -> memref<3125xi32, #tpu.memory_space<hbm>>
    %dma_start3A_142 = arith.constant 0 : i32
    %dma_start3A_143 = tpu.memref_slice %arg2[%add3A_138, %dma_start3A_142] : memref<128x3125xi32, #tpu.memory_space<hbm>> -> memref<1x3125xi32, #tpu.memory_space<hbm>>
    %dma_start3A_144 = tpu.memref_squeeze %dma_start3A_143 : memref<1x3125xi32, #tpu.memory_space<hbm>> -> memref<3125xi32, #tpu.memory_space<hbm>>
    tpu.enqueue_dma source(%dma_start3A_144 : memref<3125xi32, #tpu.memory_space<hbm>>) target(%arg8 : memref<3125xi32, #tpu.memory_space<vmem>>) target_semaphore(%arg19 : memref<!tpu.dma_semaphore, #tpu.memory_space<semaphore_mem>>)
    %dma_start3A_145 = arith.constant 0 : i32
    %dma_start3A_146 = tpu.memref_slice %arg3[%add3A_138, %dma_start3A_145] : memref<128x6250xf32, #tpu.memory_space<hbm>> -> memref<1x6250xf32, #tpu.memory_space<hbm>>
    %dma_start3A_147 = tpu.memref_squeeze %dma_start3A_146 : memref<1x6250xf32, #tpu.memory_space<hbm>> -> memref<6250xf32, #tpu.memory_space<hbm>>
    %dma_start3A_148 = arith.constant 0 : i32
    %dma_start3A_149 = tpu.memref_slice %arg3[%add3A_138, %dma_start3A_148] : memref<128x6250xf32, #tpu.memory_space<hbm>> -> memref<1x6250xf32, #tpu.memory_space<hbm>>
    %dma_start3A_150 = tpu.memref_squeeze %dma_start3A_149 : memref<1x6250xf32, #tpu.memory_space<hbm>> -> memref<6250xf32, #tpu.memory_space<hbm>>
    tpu.enqueue_dma source(%dma_start3A_150 : memref<6250xf32, #tpu.memory_space<hbm>>) target(%arg9 : memref<6250xf32, #tpu.memory_space<vmem>>) target_semaphore(%arg19 : memref<!tpu.dma_semaphore, #tpu.memory_space<semaphore_mem>>)
    %dma_start3A_151 = arith.constant 0 : i32
    %dma_start3A_152 = tpu.memref_slice %arg4[%add3A_138, %dma_start3A_151] : memref<128x12500xf32, #tpu.memory_space<hbm>> -> memref<1x12500xf32, #tpu.memory_space<hbm>>
    %dma_start3A_153 = tpu.memref_squeeze %dma_start3A_152 : memref<1x12500xf32, #tpu.memory_space<hbm>> -> memref<12500xf32, #tpu.memory_space<hbm>>
    %dma_start3A_154 = arith.constant 0 : i32
    %dma_start3A_155 = tpu.memref_slice %arg4[%add3A_138, %dma_start3A_154] : memref<128x12500xf32, #tpu.memory_space<hbm>> -> memref<1x12500xf32, #tpu.memory_space<hbm>>
    %dma_start3A_156 = tpu.memref_squeeze %dma_start3A_155 : memref<1x12500xf32, #tpu.memory_space<hbm>> -> memref<12500xf32, #tpu.memory_space<hbm>>
    tpu.enqueue_dma source(%dma_start3A_156 : memref<12500xf32, #tpu.memory_space<hbm>>) target(%arg10 : memref<12500xf32, #tpu.memory_space<vmem>>) target_semaphore(%arg19 : memref<!tpu.dma_semaphore, #tpu.memory_space<semaphore_mem>>)
    %dma_start3A_157 = arith.constant 0 : i32
    %dma_start3A_158 = tpu.memref_slice %arg5[%add3A_138, %dma_start3A_157] : memref<128x12500xf32, #tpu.memory_space<hbm>> -> memref<1x12500xf32, #tpu.memory_space<hbm>>
    %dma_start3A_159 = tpu.memref_squeeze %dma_start3A_158 : memref<1x12500xf32, #tpu.memory_space<hbm>> -> memref<12500xf32, #tpu.memory_space<hbm>>
    %dma_start3A_160 = arith.constant 0 : i32
    %dma_start3A_161 = tpu.memref_slice %arg5[%add3A_138, %dma_start3A_160] : memref<128x12500xf32, #tpu.memory_space<hbm>> -> memref<1x12500xf32, #tpu.memory_space<hbm>>
    %dma_start3A_162 = tpu.memref_squeeze %dma_start3A_161 : memref<1x12500xf32, #tpu.memory_space<hbm>> -> memref<12500xf32, #tpu.memory_space<hbm>>
    tpu.enqueue_dma source(%dma_start3A_162 : memref<12500xf32, #tpu.memory_space<hbm>>) target(%arg11 : memref<12500xf32, #tpu.memory_space<vmem>>) target_semaphore(%arg19 : memref<!tpu.dma_semaphore, #tpu.memory_space<semaphore_mem>>)
    %dma_start3A_163 = arith.constant 0 : i32
    %dma_start3A_164 = tpu.memref_slice %arg6[%add3A_138, %dma_start3A_163] : memref<128x3125xf32, #tpu.memory_space<hbm>> -> memref<1x3125xf32, #tpu.memory_space<hbm>>
    %dma_start3A_165 = tpu.memref_squeeze %dma_start3A_164 : memref<1x3125xf32, #tpu.memory_space<hbm>> -> memref<3125xf32, #tpu.memory_space<hbm>>
    %dma_start3A_166 = arith.constant 0 : i32
    %dma_start3A_167 = tpu.memref_slice %arg6[%add3A_138, %dma_start3A_166] : memref<128x3125xf32, #tpu.memory_space<hbm>> -> memref<1x3125xf32, #tpu.memory_space<hbm>>
    %dma_start3A_168 = tpu.memref_squeeze %dma_start3A_167 : memref<1x3125xf32, #tpu.memory_space<hbm>> -> memref<3125xf32, #tpu.memory_space<hbm>>
    tpu.enqueue_dma source(%dma_start3A_168 : memref<3125xf32, #tpu.memory_space<hbm>>) target(%arg12 : memref<3125xf32, #tpu.memory_space<vmem>>) target_semaphore(%arg19 : memref<!tpu.dma_semaphore, #tpu.memory_space<semaphore_mem>>)
    %scan3A_169 = arith.constant 0 : i32
    %scan3A_170 = arith.constant 196 : i32
    %scan3A_171 = arith.addi %scan3A_169, %scan3A_170 : i32
    %scan3A_172 = arith.constant 1 : i32
    %scan3A_173:4 = scf.for %scan3A_296 = %scan3A_169 to %scan3A_171 step %scan3A_172 iter_args(%scan3A_297 = %scan3A_103#0, %scan3A_298 = %scan3A_103#1, %scan3A_299 = %scan3A_103#2, %scan3A_300 = %scan3A_103#3) -> (vector<16xf32>, vector<16xf32>, vector<16xf32>, vector<16xf32>)  : i32 {
      %mul3A_301 = arith.constant 16 : i32
      %mul3A_302 = arith.muli %scan3A_296, %mul3A_301 : i32
      %add3A_303 = vector.broadcast %mul3A_302 : i32 to vector<16xi32>
      %add3A_304 = arith.addi %add3A_303, %iota3A : vector<16xi32>
      %lt3A = arith.constant 3125 : i32
      %lt3A_305 = vector.broadcast %lt3A : i32 to vector<16xi32>
      %lt3A_306 = arith.cmpi slt, %add3A_304, %lt3A_305 : vector<16xi32>
      %get3A = arith.index_cast %mul3A_302 : i32 to index
      %get3A_307 = tpu.vector_load %arg13[%get3A] {strides = array<i32>} : memref<3125xi32, #tpu.memory_space<vmem>>, vector<16xi32>,
      %jit3A = arith.constant -2 : i32
      %broadcast_in_dim3A_308 = vector.broadcast %jit3A : i32 to vector<16xi32>
      %select_n3A = arith.select %lt3A_306, %get3A_307, %broadcast_in_dim3A_308 : vector<16xi1>, vector<16xi32>
      %mul3A_309 = arith.constant 2 : i32
      %mul3A_310 = vector.broadcast %mul3A_309 : i32 to vector<16xi32>
      %mul3A_311 = arith.muli %mul3A_310, %add3A_304 : vector<16xi32>
      %add3A_312 = arith.addi %mul3A_311, %select_n3A : vector<16xi32>
      %jit3A_313 = arith.constant 0 : i32
      %broadcast_in_dim3A_314 = vector.broadcast %jit3A_313 : i32 to vector<16xi32>
      %select_n3A_315 = arith.select %lt3A_306, %add3A_312, %broadcast_in_dim3A_314 : vector<16xi1>, vector<16xi32>
      %gather3A = tpu.vector_load_idx %arg14[%select_n3A_315] : memref<6250xf32, #tpu.memory_space<vmem>>[vector<16xi32>], vector<16xf32>,
      %eq3A = arith.constant 1 : i32
      %eq3A_316 = vector.broadcast %eq3A : i32 to vector<16xi32>
      %eq3A_317 = arith.cmpi eq, %select_n3A, %eq3A_316 : vector<16xi32>
      %eq3A_318 = arith.constant 0 : i32
      %eq3A_319 = vector.broadcast %eq3A_318 : i32 to vector<16xi32>
      %eq3A_320 = arith.cmpi eq, %select_n3A, %eq3A_319 : vector<16xi32>
      %select_n3A_321 = arith.select %eq3A_317, %gather3A, %broadcast_in_dim3A_1 : vector<16xi1>, vector<16xf32>
      %add3A_322 = arith.addf %scan3A_297, %select_n3A_321 : vector<16xf32>
      %select_n3A_323 = arith.select %eq3A_320, %gather3A, %broadcast_in_dim3A_1 : vector<16xi1>, vector<16xf32>
      %add3A_324 = arith.addf %scan3A_298, %select_n3A_323 : vector<16xf32>
      %select_n3A_325 = arith.select %eq3A_317, %broadcast_in_dim3A_3, %broadcast_in_dim3A_1 : vector<16xi1>, vector<16xf32>
      %add3A_326 = arith.addf %scan3A_299, %select_n3A_325 : vector<16xf32>
      %get3A_327 = arith.index_cast %mul3A_302 : i32 to index
      %get3A_328 = tpu.vector_load %arg17[%get3A_327] {strides = array<i32>} : memref<3125xf32, #tpu.memory_space<vmem>>, vector<16xf32>,
      %get3A_329 = arith.index_cast %mul3A_302 : i32 to index
      %get3A_330 = tpu.vector_load %arg15[%get3A_329] {strides = array<i32>} : memref<12500xf32, #tpu.memory_space<vmem>>, vector<16xf32>,
      %get3A_331 = arith.index_cast %mul3A_302 : i32 to index
      %get3A_332 = tpu.vector_load %arg16[%get3A_331] {strides = array<i32>} : memref<12500xf32, #tpu.memory_space<vmem>>, vector<16xf32>,
      %sub3A = arith.subf %get3A_330, %get3A_332 : vector<16xf32>
      %abs3A = math.absf %sub3A : vector<16xf32>
      %add3A_333 = arith.constant 3125 : i32
      %add3A_334 = arith.addi %add3A_333, %mul3A_302 : i32
      %get3A_335 = arith.index_cast %add3A_334 : i32 to index
      %get3A_336 = tpu.vector_load %arg15[%get3A_335] {strides = array<i32>} : memref<12500xf32, #tpu.memory_space<vmem>>, vector<16xf32>,
      %add3A_337 = arith.constant 3125 : i32
      %add3A_338 = arith.addi %add3A_337, %mul3A_302 : i32
      %get3A_339 = arith.index_cast %add3A_338 : i32 to index
      %get3A_340 = tpu.vector_load %arg16[%get3A_339] {strides = array<i32>} : memref<12500xf32, #tpu.memory_space<vmem>>, vector<16xf32>,
      %sub3A_341 = arith.subf %get3A_336, %get3A_340 : vector<16xf32>
      %abs3A_342 = math.absf %sub3A_341 : vector<16xf32>
      %add3A_343 = arith.addf %abs3A, %abs3A_342 : vector<16xf32>
      %add3A_344 = arith.constant 6250 : i32
      %add3A_345 = arith.addi %add3A_344, %mul3A_302 : i32
      %get3A_346 = arith.index_cast %add3A_345 : i32 to index
      %get3A_347 = tpu.vector_load %arg15[%get3A_346] {strides = array<i32>} : memref<12500xf32, #tpu.memory_space<vmem>>, vector<16xf32>,
      %add3A_348 = arith.constant 6250 : i32
      %add3A_349 = arith.addi %add3A_348, %mul3A_302 : i32
      %get3A_350 = arith.index_cast %add3A_349 : i32 to index
      %get3A_351 = tpu.vector_load %arg16[%get3A_350] {strides = array<i32>} : memref<12500xf32, #tpu.memory_space<vmem>>, vector<16xf32>,
      %sub3A_352 = arith.subf %get3A_347, %get3A_351 : vector<16xf32>
      %abs3A_353 = math.absf %sub3A_352 : vector<16xf32>
      %add3A_354 = arith.addf %add3A_343, %abs3A_353 : vector<16xf32>
      %add3A_355 = arith.constant 9375 : i32
      %add3A_356 = arith.addi %add3A_355, %mul3A_302 : i32
      %get3A_357 = arith.index_cast %add3A_356 : i32 to index
      %get3A_358 = tpu.vector_load %arg15[%get3A_357] {strides = array<i32>} : memref<12500xf32, #tpu.memory_space<vmem>>, vector<16xf32>,
      %add3A_359 = arith.constant 9375 : i32
      %add3A_360 = arith.addi %add3A_359, %mul3A_302 : i32
      %get3A_361 = arith.index_cast %add3A_360 : i32 to index
      %get3A_362 = tpu.vector_load %arg16[%get3A_361] {strides = array<i32>} : memref<12500xf32, #tpu.memory_space<vmem>>, vector<16xf32>,
      %sub3A_363 = arith.subf %get3A_358, %get3A_362 : vector<16xf32>
      %abs3A_364 = math.absf %sub3A_363 : vector<16xf32>
      %add3A_365 = arith.addf %add3A_354, %abs3A_364 : vector<16xf32>
      %mul3A_366 = arith.mulf %add3A_365, %get3A_328 : vector<16xf32>
      %select_n3A_367 = arith.select %lt3A_306, %mul3A_366, %broadcast_in_dim3A_1 : vector<16xi1>, vector<16xf32>
      %add3A_368 = arith.addf %scan3A_300, %select_n3A_367 : vector<16xf32>
      scf.yield %add3A_322, %add3A_324, %add3A_326, %add3A_368 : vector<16xf32>, vector<16xf32>, vector<16xf32>, vector<16xf32>
    }
    %scan3A_174 = arith.constant 196 : i32
    %dma_wait3A_175 = arith.constant 0 : i32
    %dma_wait3A_176 = tpu.memref_slice %arg2[%add3A_138, %dma_wait3A_175] : memref<128x3125xi32, #tpu.memory_space<hbm>> -> memref<1x3125xi32, #tpu.memory_space<hbm>>
    %dma_wait3A_177 = tpu.memref_squeeze %dma_wait3A_176 : memref<1x3125xi32, #tpu.memory_space<hbm>> -> memref<3125xi32, #tpu.memory_space<hbm>>
    %dma_wait3A_178 = arith.constant 0 : i32
    %dma_wait3A_179 = tpu.memref_slice %arg2[%add3A_138, %dma_wait3A_178] : memref<128x3125xi32, #tpu.memory_space<hbm>> -> memref<1x3125xi32, #tpu.memory_space<hbm>>
    %dma_wait3A_180 = tpu.memref_squeeze %dma_wait3A_179 : memref<1x3125xi32, #tpu.memory_space<hbm>> -> memref<3125xi32, #tpu.memory_space<hbm>>
    tpu.wait_dma2 semaphore(%arg19 : memref<!tpu.dma_semaphore, #tpu.memory_space<semaphore_mem>>) src(%dma_wait3A_180 : memref<3125xi32, #tpu.memory_space<hbm>>) dst(%arg8 : memref<3125xi32, #tpu.memory_space<vmem>>)
    %dma_wait3A_181 = arith.constant 0 : i32
    %dma_wait3A_182 = tpu.memref_slice %arg3[%add3A_138, %dma_wait3A_181] : memref<128x6250xf32, #tpu.memory_space<hbm>> -> memref<1x6250xf32, #tpu.memory_space<hbm>>
    %dma_wait3A_183 = tpu.memref_squeeze %dma_wait3A_182 : memref<1x6250xf32, #tpu.memory_space<hbm>> -> memref<6250xf32, #tpu.memory_space<hbm>>
    %dma_wait3A_184 = arith.constant 0 : i32
    %dma_wait3A_185 = tpu.memref_slice %arg3[%add3A_138, %dma_wait3A_184] : memref<128x6250xf32, #tpu.memory_space<hbm>> -> memref<1x6250xf32, #tpu.memory_space<hbm>>
    %dma_wait3A_186 = tpu.memref_squeeze %dma_wait3A_185 : memref<1x6250xf32, #tpu.memory_space<hbm>> -> memref<6250xf32, #tpu.memory_space<hbm>>
    tpu.wait_dma2 semaphore(%arg19 : memref<!tpu.dma_semaphore, #tpu.memory_space<semaphore_mem>>) src(%dma_wait3A_186 : memref<6250xf32, #tpu.memory_space<hbm>>) dst(%arg9 : memref<6250xf32, #tpu.memory_space<vmem>>)
    %dma_wait3A_187 = arith.constant 0 : i32
    %dma_wait3A_188 = tpu.memref_slice %arg4[%add3A_138, %dma_wait3A_187] : memref<128x12500xf32, #tpu.memory_space<hbm>> -> memref<1x12500xf32, #tpu.memory_space<hbm>>
    %dma_wait3A_189 = tpu.memref_squeeze %dma_wait3A_188 : memref<1x12500xf32, #tpu.memory_space<hbm>> -> memref<12500xf32, #tpu.memory_space<hbm>>
    %dma_wait3A_190 = arith.constant 0 : i32
    %dma_wait3A_191 = tpu.memref_slice %arg4[%add3A_138, %dma_wait3A_190] : memref<128x12500xf32, #tpu.memory_space<hbm>> -> memref<1x12500xf32, #tpu.memory_space<hbm>>
    %dma_wait3A_192 = tpu.memref_squeeze %dma_wait3A_191 : memref<1x12500xf32, #tpu.memory_space<hbm>> -> memref<12500xf32, #tpu.memory_space<hbm>>
    tpu.wait_dma2 semaphore(%arg19 : memref<!tpu.dma_semaphore, #tpu.memory_space<semaphore_mem>>) src(%dma_wait3A_192 : memref<12500xf32, #tpu.memory_space<hbm>>) dst(%arg10 : memref<12500xf32, #tpu.memory_space<vmem>>)
    %dma_wait3A_193 = arith.constant 0 : i32
    %dma_wait3A_194 = tpu.memref_slice %arg5[%add3A_138, %dma_wait3A_193] : memref<128x12500xf32, #tpu.memory_space<hbm>> -> memref<1x12500xf32, #tpu.memory_space<hbm>>
    %dma_wait3A_195 = tpu.memref_squeeze %dma_wait3A_194 : memref<1x12500xf32, #tpu.memory_space<hbm>> -> memref<12500xf32, #tpu.memory_space<hbm>>
    %dma_wait3A_196 = arith.constant 0 : i32
    %dma_wait3A_197 = tpu.memref_slice %arg5[%add3A_138, %dma_wait3A_196] : memref<128x12500xf32, #tpu.memory_space<hbm>> -> memref<1x12500xf32, #tpu.memory_space<hbm>>
    %dma_wait3A_198 = tpu.memref_squeeze %dma_wait3A_197 : memref<1x12500xf32, #tpu.memory_space<hbm>> -> memref<12500xf32, #tpu.memory_space<hbm>>
    tpu.wait_dma2 semaphore(%arg19 : memref<!tpu.dma_semaphore, #tpu.memory_space<semaphore_mem>>) src(%dma_wait3A_198 : memref<12500xf32, #tpu.memory_space<hbm>>) dst(%arg11 : memref<12500xf32, #tpu.memory_space<vmem>>)
    %dma_wait3A_199 = arith.constant 0 : i32
    %dma_wait3A_200 = tpu.memref_slice %arg6[%add3A_138, %dma_wait3A_199] : memref<128x3125xf32, #tpu.memory_space<hbm>> -> memref<1x3125xf32, #tpu.memory_space<hbm>>
    %dma_wait3A_201 = tpu.memref_squeeze %dma_wait3A_200 : memref<1x3125xf32, #tpu.memory_space<hbm>> -> memref<3125xf32, #tpu.memory_space<hbm>>
    %dma_wait3A_202 = arith.constant 0 : i32
    %dma_wait3A_203 = tpu.memref_slice %arg6[%add3A_138, %dma_wait3A_202] : memref<128x3125xf32, #tpu.memory_space<hbm>> -> memref<1x3125xf32, #tpu.memory_space<hbm>>
    %dma_wait3A_204 = tpu.memref_squeeze %dma_wait3A_203 : memref<1x3125xf32, #tpu.memory_space<hbm>> -> memref<3125xf32, #tpu.memory_space<hbm>>
    tpu.wait_dma2 semaphore(%arg19 : memref<!tpu.dma_semaphore, #tpu.memory_space<semaphore_mem>>) src(%dma_wait3A_204 : memref<3125xf32, #tpu.memory_space<hbm>>) dst(%arg12 : memref<3125xf32, #tpu.memory_space<vmem>>)
    %mul3A_205 = arith.constant 4 : i32
    %mul3A_206 = arith.muli %add3A, %mul3A_205 : i32
    %add3A_207 = arith.constant 3 : i32
    %add3A_208 = arith.addi %mul3A_206, %add3A_207 : i32
    %dma_start3A_209 = arith.constant 0 : i32
    %dma_start3A_210 = tpu.memref_slice %arg2[%add3A_208, %dma_start3A_209] : memref<128x3125xi32, #tpu.memory_space<hbm>> -> memref<1x3125xi32, #tpu.memory_space<hbm>>
    %dma_start3A_211 = tpu.memref_squeeze %dma_start3A_210 : memref<1x3125xi32, #tpu.memory_space<hbm>> -> memref<3125xi32, #tpu.memory_space<hbm>>
    %dma_start3A_212 = arith.constant 0 : i32
    %dma_start3A_213 = tpu.memref_slice %arg2[%add3A_208, %dma_start3A_212] : memref<128x3125xi32, #tpu.memory_space<hbm>> -> memref<1x3125xi32, #tpu.memory_space<hbm>>
    %dma_start3A_214 = tpu.memref_squeeze %dma_start3A_213 : memref<1x3125xi32, #tpu.memory_space<hbm>> -> memref<3125xi32, #tpu.memory_space<hbm>>
    tpu.enqueue_dma source(%dma_start3A_214 : memref<3125xi32, #tpu.memory_space<hbm>>) target(%arg13 : memref<3125xi32, #tpu.memory_space<vmem>>) target_semaphore(%arg20 : memref<!tpu.dma_semaphore, #tpu.memory_space<semaphore_mem>>)
    %dma_start3A_215 = arith.constant 0 : i32
    %dma_start3A_216 = tpu.memref_slice %arg3[%add3A_208, %dma_start3A_215] : memref<128x6250xf32, #tpu.memory_space<hbm>> -> memref<1x6250xf32, #tpu.memory_space<hbm>>
    %dma_start3A_217 = tpu.memref_squeeze %dma_start3A_216 : memref<1x6250xf32, #tpu.memory_space<hbm>> -> memref<6250xf32, #tpu.memory_space<hbm>>
    %dma_start3A_218 = arith.constant 0 : i32
    %dma_start3A_219 = tpu.memref_slice %arg3[%add3A_208, %dma_start3A_218] : memref<128x6250xf32, #tpu.memory_space<hbm>> -> memref<1x6250xf32, #tpu.memory_space<hbm>>
    %dma_start3A_220 = tpu.memref_squeeze %dma_start3A_219 : memref<1x6250xf32, #tpu.memory_space<hbm>> -> memref<6250xf32, #tpu.memory_space<hbm>>
    tpu.enqueue_dma source(%dma_start3A_220 : memref<6250xf32, #tpu.memory_space<hbm>>) target(%arg14 : memref<6250xf32, #tpu.memory_space<vmem>>) target_semaphore(%arg20 : memref<!tpu.dma_semaphore, #tpu.memory_space<semaphore_mem>>)
    %dma_start3A_221 = arith.constant 0 : i32
    %dma_start3A_222 = tpu.memref_slice %arg4[%add3A_208, %dma_start3A_221] : memref<128x12500xf32, #tpu.memory_space<hbm>> -> memref<1x12500xf32, #tpu.memory_space<hbm>>
    %dma_start3A_223 = tpu.memref_squeeze %dma_start3A_222 : memref<1x12500xf32, #tpu.memory_space<hbm>> -> memref<12500xf32, #tpu.memory_space<hbm>>
    %dma_start3A_224 = arith.constant 0 : i32
    %dma_start3A_225 = tpu.memref_slice %arg4[%add3A_208, %dma_start3A_224] : memref<128x12500xf32, #tpu.memory_space<hbm>> -> memref<1x12500xf32, #tpu.memory_space<hbm>>
    %dma_start3A_226 = tpu.memref_squeeze %dma_start3A_225 : memref<1x12500xf32, #tpu.memory_space<hbm>> -> memref<12500xf32, #tpu.memory_space<hbm>>
    tpu.enqueue_dma source(%dma_start3A_226 : memref<12500xf32, #tpu.memory_space<hbm>>) target(%arg15 : memref<12500xf32, #tpu.memory_space<vmem>>) target_semaphore(%arg20 : memref<!tpu.dma_semaphore, #tpu.memory_space<semaphore_mem>>)
    %dma_start3A_227 = arith.constant 0 : i32
    %dma_start3A_228 = tpu.memref_slice %arg5[%add3A_208, %dma_start3A_227] : memref<128x12500xf32, #tpu.memory_space<hbm>> -> memref<1x12500xf32, #tpu.memory_space<hbm>>
    %dma_start3A_229 = tpu.memref_squeeze %dma_start3A_228 : memref<1x12500xf32, #tpu.memory_space<hbm>> -> memref<12500xf32, #tpu.memory_space<hbm>>
    %dma_start3A_230 = arith.constant 0 : i32
    %dma_start3A_231 = tpu.memref_slice %arg5[%add3A_208, %dma_start3A_230] : memref<128x12500xf32, #tpu.memory_space<hbm>> -> memref<1x12500xf32, #tpu.memory_space<hbm>>
    %dma_start3A_232 = tpu.memref_squeeze %dma_start3A_231 : memref<1x12500xf32, #tpu.memory_space<hbm>> -> memref<12500xf32, #tpu.memory_space<hbm>>
    tpu.enqueue_dma source(%dma_start3A_232 : memref<12500xf32, #tpu.memory_space<hbm>>) target(%arg16 : memref<12500xf32, #tpu.memory_space<vmem>>) target_semaphore(%arg20 : memref<!tpu.dma_semaphore, #tpu.memory_space<semaphore_mem>>)
    %dma_start3A_233 = arith.constant 0 : i32
    %dma_start3A_234 = tpu.memref_slice %arg6[%add3A_208, %dma_start3A_233] : memref<128x3125xf32, #tpu.memory_space<hbm>> -> memref<1x3125xf32, #tpu.memory_space<hbm>>
    %dma_start3A_235 = tpu.memref_squeeze %dma_start3A_234 : memref<1x3125xf32, #tpu.memory_space<hbm>> -> memref<3125xf32, #tpu.memory_space<hbm>>
    %dma_start3A_236 = arith.constant 0 : i32
    %dma_start3A_237 = tpu.memref_slice %arg6[%add3A_208, %dma_start3A_236] : memref<128x3125xf32, #tpu.memory_space<hbm>> -> memref<1x3125xf32, #tpu.memory_space<hbm>>
    %dma_start3A_238 = tpu.memref_squeeze %dma_start3A_237 : memref<1x3125xf32, #tpu.memory_space<hbm>> -> memref<3125xf32, #tpu.memory_space<hbm>>
    tpu.enqueue_dma source(%dma_start3A_238 : memref<3125xf32, #tpu.memory_space<hbm>>) target(%arg17 : memref<3125xf32, #tpu.memory_space<vmem>>) target_semaphore(%arg20 : memref<!tpu.dma_semaphore, #tpu.memory_space<semaphore_mem>>)
    %scan3A_239 = arith.constant 0 : i32
    %scan3A_240 = arith.constant 196 : i32
    %scan3A_241 = arith.addi %scan3A_239, %scan3A_240 : i32
    %scan3A_242 = arith.constant 1 : i32
    %scan3A_243:4 = scf.for %scan3A_296 = %scan3A_239 to %scan3A_241 step %scan3A_242 iter_args(%scan3A_297 = %scan3A_173#0, %scan3A_298 = %scan3A_173#1, %scan3A_299 = %scan3A_173#2, %scan3A_300 = %scan3A_173#3) -> (vector<16xf32>, vector<16xf32>, vector<16xf32>, vector<16xf32>)  : i32 {
      %mul3A_301 = arith.constant 16 : i32
      %mul3A_302 = arith.muli %scan3A_296, %mul3A_301 : i32
      %add3A_303 = vector.broadcast %mul3A_302 : i32 to vector<16xi32>
      %add3A_304 = arith.addi %add3A_303, %iota3A : vector<16xi32>
      %lt3A = arith.constant 3125 : i32
      %lt3A_305 = vector.broadcast %lt3A : i32 to vector<16xi32>
      %lt3A_306 = arith.cmpi slt, %add3A_304, %lt3A_305 : vector<16xi32>
      %get3A = arith.index_cast %mul3A_302 : i32 to index
      %get3A_307 = tpu.vector_load %arg8[%get3A] {strides = array<i32>} : memref<3125xi32, #tpu.memory_space<vmem>>, vector<16xi32>,
      %jit3A = arith.constant -2 : i32
      %broadcast_in_dim3A_308 = vector.broadcast %jit3A : i32 to vector<16xi32>
      %select_n3A = arith.select %lt3A_306, %get3A_307, %broadcast_in_dim3A_308 : vector<16xi1>, vector<16xi32>
      %mul3A_309 = arith.constant 2 : i32
      %mul3A_310 = vector.broadcast %mul3A_309 : i32 to vector<16xi32>
      %mul3A_311 = arith.muli %mul3A_310, %add3A_304 : vector<16xi32>
      %add3A_312 = arith.addi %mul3A_311, %select_n3A : vector<16xi32>
      %jit3A_313 = arith.constant 0 : i32
      %broadcast_in_dim3A_314 = vector.broadcast %jit3A_313 : i32 to vector<16xi32>
      %select_n3A_315 = arith.select %lt3A_306, %add3A_312, %broadcast_in_dim3A_314 : vector<16xi1>, vector<16xi32>
      %gather3A = tpu.vector_load_idx %arg9[%select_n3A_315] : memref<6250xf32, #tpu.memory_space<vmem>>[vector<16xi32>], vector<16xf32>,
      %eq3A = arith.constant 1 : i32
      %eq3A_316 = vector.broadcast %eq3A : i32 to vector<16xi32>
      %eq3A_317 = arith.cmpi eq, %select_n3A, %eq3A_316 : vector<16xi32>
      %eq3A_318 = arith.constant 0 : i32
      %eq3A_319 = vector.broadcast %eq3A_318 : i32 to vector<16xi32>
      %eq3A_320 = arith.cmpi eq, %select_n3A, %eq3A_319 : vector<16xi32>
      %select_n3A_321 = arith.select %eq3A_317, %gather3A, %broadcast_in_dim3A_1 : vector<16xi1>, vector<16xf32>
      %add3A_322 = arith.addf %scan3A_297, %select_n3A_321 : vector<16xf32>
      %select_n3A_323 = arith.select %eq3A_320, %gather3A, %broadcast_in_dim3A_1 : vector<16xi1>, vector<16xf32>
      %add3A_324 = arith.addf %scan3A_298, %select_n3A_323 : vector<16xf32>
      %select_n3A_325 = arith.select %eq3A_317, %broadcast_in_dim3A_3, %broadcast_in_dim3A_1 : vector<16xi1>, vector<16xf32>
      %add3A_326 = arith.addf %scan3A_299, %select_n3A_325 : vector<16xf32>
      %get3A_327 = arith.index_cast %mul3A_302 : i32 to index
      %get3A_328 = tpu.vector_load %arg12[%get3A_327] {strides = array<i32>} : memref<3125xf32, #tpu.memory_space<vmem>>, vector<16xf32>,
      %get3A_329 = arith.index_cast %mul3A_302 : i32 to index
      %get3A_330 = tpu.vector_load %arg10[%get3A_329] {strides = array<i32>} : memref<12500xf32, #tpu.memory_space<vmem>>, vector<16xf32>,
      %get3A_331 = arith.index_cast %mul3A_302 : i32 to index
      %get3A_332 = tpu.vector_load %arg11[%get3A_331] {strides = array<i32>} : memref<12500xf32, #tpu.memory_space<vmem>>, vector<16xf32>,
      %sub3A = arith.subf %get3A_330, %get3A_332 : vector<16xf32>
      %abs3A = math.absf %sub3A : vector<16xf32>
      %add3A_333 = arith.constant 3125 : i32
      %add3A_334 = arith.addi %add3A_333, %mul3A_302 : i32
      %get3A_335 = arith.index_cast %add3A_334 : i32 to index
      %get3A_336 = tpu.vector_load %arg10[%get3A_335] {strides = array<i32>} : memref<12500xf32, #tpu.memory_space<vmem>>, vector<16xf32>,
      %add3A_337 = arith.constant 3125 : i32
      %add3A_338 = arith.addi %add3A_337, %mul3A_302 : i32
      %get3A_339 = arith.index_cast %add3A_338 : i32 to index
      %get3A_340 = tpu.vector_load %arg11[%get3A_339] {strides = array<i32>} : memref<12500xf32, #tpu.memory_space<vmem>>, vector<16xf32>,
      %sub3A_341 = arith.subf %get3A_336, %get3A_340 : vector<16xf32>
      %abs3A_342 = math.absf %sub3A_341 : vector<16xf32>
      %add3A_343 = arith.addf %abs3A, %abs3A_342 : vector<16xf32>
      %add3A_344 = arith.constant 6250 : i32
      %add3A_345 = arith.addi %add3A_344, %mul3A_302 : i32
      %get3A_346 = arith.index_cast %add3A_345 : i32 to index
      %get3A_347 = tpu.vector_load %arg10[%get3A_346] {strides = array<i32>} : memref<12500xf32, #tpu.memory_space<vmem>>, vector<16xf32>,
      %add3A_348 = arith.constant 6250 : i32
      %add3A_349 = arith.addi %add3A_348, %mul3A_302 : i32
      %get3A_350 = arith.index_cast %add3A_349 : i32 to index
      %get3A_351 = tpu.vector_load %arg11[%get3A_350] {strides = array<i32>} : memref<12500xf32, #tpu.memory_space<vmem>>, vector<16xf32>,
      %sub3A_352 = arith.subf %get3A_347, %get3A_351 : vector<16xf32>
      %abs3A_353 = math.absf %sub3A_352 : vector<16xf32>
      %add3A_354 = arith.addf %add3A_343, %abs3A_353 : vector<16xf32>
      %add3A_355 = arith.constant 9375 : i32
      %add3A_356 = arith.addi %add3A_355, %mul3A_302 : i32
      %get3A_357 = arith.index_cast %add3A_356 : i32 to index
      %get3A_358 = tpu.vector_load %arg10[%get3A_357] {strides = array<i32>} : memref<12500xf32, #tpu.memory_space<vmem>>, vector<16xf32>,
      %add3A_359 = arith.constant 9375 : i32
      %add3A_360 = arith.addi %add3A_359, %mul3A_302 : i32
      %get3A_361 = arith.index_cast %add3A_360 : i32 to index
      %get3A_362 = tpu.vector_load %arg11[%get3A_361] {strides = array<i32>} : memref<12500xf32, #tpu.memory_space<vmem>>, vector<16xf32>,
      %sub3A_363 = arith.subf %get3A_358, %get3A_362 : vector<16xf32>
      %abs3A_364 = math.absf %sub3A_363 : vector<16xf32>
      %add3A_365 = arith.addf %add3A_354, %abs3A_364 : vector<16xf32>
      %mul3A_366 = arith.mulf %add3A_365, %get3A_328 : vector<16xf32>
      %select_n3A_367 = arith.select %lt3A_306, %mul3A_366, %broadcast_in_dim3A_1 : vector<16xi1>, vector<16xf32>
      %add3A_368 = arith.addf %scan3A_300, %select_n3A_367 : vector<16xf32>
      scf.yield %add3A_322, %add3A_324, %add3A_326, %add3A_368 : vector<16xf32>, vector<16xf32>, vector<16xf32>, vector<16xf32>
    }
    %scan3A_244 = arith.constant 196 : i32
    %dma_wait3A_245 = arith.constant 0 : i32
    %dma_wait3A_246 = tpu.memref_slice %arg2[%add3A_208, %dma_wait3A_245] : memref<128x3125xi32, #tpu.memory_space<hbm>> -> memref<1x3125xi32, #tpu.memory_space<hbm>>
    %dma_wait3A_247 = tpu.memref_squeeze %dma_wait3A_246 : memref<1x3125xi32, #tpu.memory_space<hbm>> -> memref<3125xi32, #tpu.memory_space<hbm>>
    %dma_wait3A_248 = arith.constant 0 : i32
    %dma_wait3A_249 = tpu.memref_slice %arg2[%add3A_208, %dma_wait3A_248] : memref<128x3125xi32, #tpu.memory_space<hbm>> -> memref<1x3125xi32, #tpu.memory_space<hbm>>
    %dma_wait3A_250 = tpu.memref_squeeze %dma_wait3A_249 : memref<1x3125xi32, #tpu.memory_space<hbm>> -> memref<3125xi32, #tpu.memory_space<hbm>>
    tpu.wait_dma2 semaphore(%arg20 : memref<!tpu.dma_semaphore, #tpu.memory_space<semaphore_mem>>) src(%dma_wait3A_250 : memref<3125xi32, #tpu.memory_space<hbm>>) dst(%arg13 : memref<3125xi32, #tpu.memory_space<vmem>>)
    %dma_wait3A_251 = arith.constant 0 : i32
    %dma_wait3A_252 = tpu.memref_slice %arg3[%add3A_208, %dma_wait3A_251] : memref<128x6250xf32, #tpu.memory_space<hbm>> -> memref<1x6250xf32, #tpu.memory_space<hbm>>
    %dma_wait3A_253 = tpu.memref_squeeze %dma_wait3A_252 : memref<1x6250xf32, #tpu.memory_space<hbm>> -> memref<6250xf32, #tpu.memory_space<hbm>>
    %dma_wait3A_254 = arith.constant 0 : i32
    %dma_wait3A_255 = tpu.memref_slice %arg3[%add3A_208, %dma_wait3A_254] : memref<128x6250xf32, #tpu.memory_space<hbm>> -> memref<1x6250xf32, #tpu.memory_space<hbm>>
    %dma_wait3A_256 = tpu.memref_squeeze %dma_wait3A_255 : memref<1x6250xf32, #tpu.memory_space<hbm>> -> memref<6250xf32, #tpu.memory_space<hbm>>
    tpu.wait_dma2 semaphore(%arg20 : memref<!tpu.dma_semaphore, #tpu.memory_space<semaphore_mem>>) src(%dma_wait3A_256 : memref<6250xf32, #tpu.memory_space<hbm>>) dst(%arg14 : memref<6250xf32, #tpu.memory_space<vmem>>)
    %dma_wait3A_257 = arith.constant 0 : i32
    %dma_wait3A_258 = tpu.memref_slice %arg4[%add3A_208, %dma_wait3A_257] : memref<128x12500xf32, #tpu.memory_space<hbm>> -> memref<1x12500xf32, #tpu.memory_space<hbm>>
    %dma_wait3A_259 = tpu.memref_squeeze %dma_wait3A_258 : memref<1x12500xf32, #tpu.memory_space<hbm>> -> memref<12500xf32, #tpu.memory_space<hbm>>
    %dma_wait3A_260 = arith.constant 0 : i32
    %dma_wait3A_261 = tpu.memref_slice %arg4[%add3A_208, %dma_wait3A_260] : memref<128x12500xf32, #tpu.memory_space<hbm>> -> memref<1x12500xf32, #tpu.memory_space<hbm>>
    %dma_wait3A_262 = tpu.memref_squeeze %dma_wait3A_261 : memref<1x12500xf32, #tpu.memory_space<hbm>> -> memref<12500xf32, #tpu.memory_space<hbm>>
    tpu.wait_dma2 semaphore(%arg20 : memref<!tpu.dma_semaphore, #tpu.memory_space<semaphore_mem>>) src(%dma_wait3A_262 : memref<12500xf32, #tpu.memory_space<hbm>>) dst(%arg15 : memref<12500xf32, #tpu.memory_space<vmem>>)
    %dma_wait3A_263 = arith.constant 0 : i32
    %dma_wait3A_264 = tpu.memref_slice %arg5[%add3A_208, %dma_wait3A_263] : memref<128x12500xf32, #tpu.memory_space<hbm>> -> memref<1x12500xf32, #tpu.memory_space<hbm>>
    %dma_wait3A_265 = tpu.memref_squeeze %dma_wait3A_264 : memref<1x12500xf32, #tpu.memory_space<hbm>> -> memref<12500xf32, #tpu.memory_space<hbm>>
    %dma_wait3A_266 = arith.constant 0 : i32
    %dma_wait3A_267 = tpu.memref_slice %arg5[%add3A_208, %dma_wait3A_266] : memref<128x12500xf32, #tpu.memory_space<hbm>> -> memref<1x12500xf32, #tpu.memory_space<hbm>>
    %dma_wait3A_268 = tpu.memref_squeeze %dma_wait3A_267 : memref<1x12500xf32, #tpu.memory_space<hbm>> -> memref<12500xf32, #tpu.memory_space<hbm>>
    tpu.wait_dma2 semaphore(%arg20 : memref<!tpu.dma_semaphore, #tpu.memory_space<semaphore_mem>>) src(%dma_wait3A_268 : memref<12500xf32, #tpu.memory_space<hbm>>) dst(%arg16 : memref<12500xf32, #tpu.memory_space<vmem>>)
    %dma_wait3A_269 = arith.constant 0 : i32
    %dma_wait3A_270 = tpu.memref_slice %arg6[%add3A_208, %dma_wait3A_269] : memref<128x3125xf32, #tpu.memory_space<hbm>> -> memref<1x3125xf32, #tpu.memory_space<hbm>>
    %dma_wait3A_271 = tpu.memref_squeeze %dma_wait3A_270 : memref<1x3125xf32, #tpu.memory_space<hbm>> -> memref<3125xf32, #tpu.memory_space<hbm>>
    %dma_wait3A_272 = arith.constant 0 : i32
    %dma_wait3A_273 = tpu.memref_slice %arg6[%add3A_208, %dma_wait3A_272] : memref<128x3125xf32, #tpu.memory_space<hbm>> -> memref<1x3125xf32, #tpu.memory_space<hbm>>
    %dma_wait3A_274 = tpu.memref_squeeze %dma_wait3A_273 : memref<1x3125xf32, #tpu.memory_space<hbm>> -> memref<3125xf32, #tpu.memory_space<hbm>>
    tpu.wait_dma2 semaphore(%arg20 : memref<!tpu.dma_semaphore, #tpu.memory_space<semaphore_mem>>) src(%dma_wait3A_274 : memref<3125xf32, #tpu.memory_space<hbm>>) dst(%arg17 : memref<3125xf32, #tpu.memory_space<vmem>>)
    %scan3A_275 = arith.constant 0 : i32
    %scan3A_276 = arith.constant 196 : i32
    %scan3A_277 = arith.addi %scan3A_275, %scan3A_276 : i32
    %scan3A_278 = arith.constant 1 : i32
    %scan3A_279:4 = scf.for %scan3A_296 = %scan3A_275 to %scan3A_277 step %scan3A_278 iter_args(%scan3A_297 = %scan3A_243#0, %scan3A_298 = %scan3A_243#1, %scan3A_299 = %scan3A_243#2, %scan3A_300 = %scan3A_243#3) -> (vector<16xf32>, vector<16xf32>, vector<16xf32>, vector<16xf32>)  : i32 {
      %mul3A_301 = arith.constant 16 : i32
      %mul3A_302 = arith.muli %scan3A_296, %mul3A_301 : i32
      %add3A_303 = vector.broadcast %mul3A_302 : i32 to vector<16xi32>
      %add3A_304 = arith.addi %add3A_303, %iota3A : vector<16xi32>
      %lt3A = arith.constant 3125 : i32
      %lt3A_305 = vector.broadcast %lt3A : i32 to vector<16xi32>
      %lt3A_306 = arith.cmpi slt, %add3A_304, %lt3A_305 : vector<16xi32>
      %get3A = arith.index_cast %mul3A_302 : i32 to index
      %get3A_307 = tpu.vector_load %arg13[%get3A] {strides = array<i32>} : memref<3125xi32, #tpu.memory_space<vmem>>, vector<16xi32>,
      %jit3A = arith.constant -2 : i32
      %broadcast_in_dim3A_308 = vector.broadcast %jit3A : i32 to vector<16xi32>
      %select_n3A = arith.select %lt3A_306, %get3A_307, %broadcast_in_dim3A_308 : vector<16xi1>, vector<16xi32>
      %mul3A_309 = arith.constant 2 : i32
      %mul3A_310 = vector.broadcast %mul3A_309 : i32 to vector<16xi32>
      %mul3A_311 = arith.muli %mul3A_310, %add3A_304 : vector<16xi32>
      %add3A_312 = arith.addi %mul3A_311, %select_n3A : vector<16xi32>
      %jit3A_313 = arith.constant 0 : i32
      %broadcast_in_dim3A_314 = vector.broadcast %jit3A_313 : i32 to vector<16xi32>
      %select_n3A_315 = arith.select %lt3A_306, %add3A_312, %broadcast_in_dim3A_314 : vector<16xi1>, vector<16xi32>
      %gather3A = tpu.vector_load_idx %arg14[%select_n3A_315] : memref<6250xf32, #tpu.memory_space<vmem>>[vector<16xi32>], vector<16xf32>,
      %eq3A = arith.constant 1 : i32
      %eq3A_316 = vector.broadcast %eq3A : i32 to vector<16xi32>
      %eq3A_317 = arith.cmpi eq, %select_n3A, %eq3A_316 : vector<16xi32>
      %eq3A_318 = arith.constant 0 : i32
      %eq3A_319 = vector.broadcast %eq3A_318 : i32 to vector<16xi32>
      %eq3A_320 = arith.cmpi eq, %select_n3A, %eq3A_319 : vector<16xi32>
      %select_n3A_321 = arith.select %eq3A_317, %gather3A, %broadcast_in_dim3A_1 : vector<16xi1>, vector<16xf32>
      %add3A_322 = arith.addf %scan3A_297, %select_n3A_321 : vector<16xf32>
      %select_n3A_323 = arith.select %eq3A_320, %gather3A, %broadcast_in_dim3A_1 : vector<16xi1>, vector<16xf32>
      %add3A_324 = arith.addf %scan3A_298, %select_n3A_323 : vector<16xf32>
      %select_n3A_325 = arith.select %eq3A_317, %broadcast_in_dim3A_3, %broadcast_in_dim3A_1 : vector<16xi1>, vector<16xf32>
      %add3A_326 = arith.addf %scan3A_299, %select_n3A_325 : vector<16xf32>
      %get3A_327 = arith.index_cast %mul3A_302 : i32 to index
      %get3A_328 = tpu.vector_load %arg17[%get3A_327] {strides = array<i32>} : memref<3125xf32, #tpu.memory_space<vmem>>, vector<16xf32>,
      %get3A_329 = arith.index_cast %mul3A_302 : i32 to index
      %get3A_330 = tpu.vector_load %arg15[%get3A_329] {strides = array<i32>} : memref<12500xf32, #tpu.memory_space<vmem>>, vector<16xf32>,
      %get3A_331 = arith.index_cast %mul3A_302 : i32 to index
      %get3A_332 = tpu.vector_load %arg16[%get3A_331] {strides = array<i32>} : memref<12500xf32, #tpu.memory_space<vmem>>, vector<16xf32>,
      %sub3A = arith.subf %get3A_330, %get3A_332 : vector<16xf32>
      %abs3A = math.absf %sub3A : vector<16xf32>
      %add3A_333 = arith.constant 3125 : i32
      %add3A_334 = arith.addi %add3A_333, %mul3A_302 : i32
      %get3A_335 = arith.index_cast %add3A_334 : i32 to index
      %get3A_336 = tpu.vector_load %arg15[%get3A_335] {strides = array<i32>} : memref<12500xf32, #tpu.memory_space<vmem>>, vector<16xf32>,
      %add3A_337 = arith.constant 3125 : i32
      %add3A_338 = arith.addi %add3A_337, %mul3A_302 : i32
      %get3A_339 = arith.index_cast %add3A_338 : i32 to index
      %get3A_340 = tpu.vector_load %arg16[%get3A_339] {strides = array<i32>} : memref<12500xf32, #tpu.memory_space<vmem>>, vector<16xf32>,
      %sub3A_341 = arith.subf %get3A_336, %get3A_340 : vector<16xf32>
      %abs3A_342 = math.absf %sub3A_341 : vector<16xf32>
      %add3A_343 = arith.addf %abs3A, %abs3A_342 : vector<16xf32>
      %add3A_344 = arith.constant 6250 : i32
      %add3A_345 = arith.addi %add3A_344, %mul3A_302 : i32
      %get3A_346 = arith.index_cast %add3A_345 : i32 to index
      %get3A_347 = tpu.vector_load %arg15[%get3A_346] {strides = array<i32>} : memref<12500xf32, #tpu.memory_space<vmem>>, vector<16xf32>,
      %add3A_348 = arith.constant 6250 : i32
      %add3A_349 = arith.addi %add3A_348, %mul3A_302 : i32
      %get3A_350 = arith.index_cast %add3A_349 : i32 to index
      %get3A_351 = tpu.vector_load %arg16[%get3A_350] {strides = array<i32>} : memref<12500xf32, #tpu.memory_space<vmem>>, vector<16xf32>,
      %sub3A_352 = arith.subf %get3A_347, %get3A_351 : vector<16xf32>
      %abs3A_353 = math.absf %sub3A_352 : vector<16xf32>
      %add3A_354 = arith.addf %add3A_343, %abs3A_353 : vector<16xf32>
      %add3A_355 = arith.constant 9375 : i32
      %add3A_356 = arith.addi %add3A_355, %mul3A_302 : i32
      %get3A_357 = arith.index_cast %add3A_356 : i32 to index
      %get3A_358 = tpu.vector_load %arg15[%get3A_357] {strides = array<i32>} : memref<12500xf32, #tpu.memory_space<vmem>>, vector<16xf32>,
      %add3A_359 = arith.constant 9375 : i32
      %add3A_360 = arith.addi %add3A_359, %mul3A_302 : i32
      %get3A_361 = arith.index_cast %add3A_360 : i32 to index
      %get3A_362 = tpu.vector_load %arg16[%get3A_361] {strides = array<i32>} : memref<12500xf32, #tpu.memory_space<vmem>>, vector<16xf32>,
      %sub3A_363 = arith.subf %get3A_358, %get3A_362 : vector<16xf32>
      %abs3A_364 = math.absf %sub3A_363 : vector<16xf32>
      %add3A_365 = arith.addf %add3A_354, %abs3A_364 : vector<16xf32>
      %mul3A_366 = arith.mulf %add3A_365, %get3A_328 : vector<16xf32>
      %select_n3A_367 = arith.select %lt3A_306, %mul3A_366, %broadcast_in_dim3A_1 : vector<16xi1>, vector<16xf32>
      %add3A_368 = arith.addf %scan3A_300, %select_n3A_367 : vector<16xf32>
      scf.yield %add3A_322, %add3A_324, %add3A_326, %add3A_368 : vector<16xf32>, vector<16xf32>, vector<16xf32>, vector<16xf32>
    }
    %scan3A_280 = arith.constant 196 : i32
    %swap3A = arith.constant 0 : i32
    %swap3A_281 = arith.index_cast %swap3A : i32 to index
    %swap3A_282 = arith.constant 0 : index
    %swap3A_283 = tpu.vector_load %arg18[%swap3A_281, %swap3A_282] {strides = array<i32>} : memref<4x16xf32, #tpu.memory_space<vmem>>, vector<16xf32>,
    tpu.vector_store %arg18[%swap3A_281, %swap3A_282], %scan3A_279#0 {strides = array<i32>} : memref<4x16xf32, #tpu.memory_space<vmem>>, vector<16xf32>,
    %swap3A_284 = arith.constant 1 : i32
    %swap3A_285 = arith.index_cast %swap3A_284 : i32 to index
    %swap3A_286 = arith.constant 0 : index
    %swap3A_287 = tpu.vector_load %arg18[%swap3A_285, %swap3A_286] {strides = array<i32>} : memref<4x16xf32, #tpu.memory_space<vmem>>, vector<16xf32>,
    tpu.vector_store %arg18[%swap3A_285, %swap3A_286], %scan3A_279#1 {strides = array<i32>} : memref<4x16xf32, #tpu.memory_space<vmem>>, vector<16xf32>,
    %swap3A_288 = arith.constant 2 : i32
    %swap3A_289 = arith.index_cast %swap3A_288 : i32 to index
    %swap3A_290 = arith.constant 0 : index
    %swap3A_291 = tpu.vector_load %arg18[%swap3A_289, %swap3A_290] {strides = array<i32>} : memref<4x16xf32, #tpu.memory_space<vmem>>, vector<16xf32>,
    tpu.vector_store %arg18[%swap3A_289, %swap3A_290], %scan3A_279#2 {strides = array<i32>} : memref<4x16xf32, #tpu.memory_space<vmem>>, vector<16xf32>,
    %swap3A_292 = arith.constant 3 : i32
    %swap3A_293 = arith.index_cast %swap3A_292 : i32 to index
    %swap3A_294 = arith.constant 0 : index
    %swap3A_295 = tpu.vector_load %arg18[%swap3A_293, %swap3A_294] {strides = array<i32>} : memref<4x16xf32, #tpu.memory_space<vmem>>, vector<16xf32>,
    tpu.vector_store %arg18[%swap3A_293, %swap3A_294], %scan3A_279#3 {strides = array<i32>} : memref<4x16xf32, #tpu.memory_space<vmem>>, vector<16xf32>,
    "tpu.region"() ({
      %run_scoped3A = tpu.sem_alloc : memref<!tpu.dma_semaphore, #tpu.memory_space<semaphore_mem>>
      %dma_start3A_296 = arith.constant 0 : i32
      %dma_start3A_297 = arith.constant 0 : i32
      %dma_start3A_298 = tpu.memref_slice %arg7[%add3A, %dma_start3A_296, %dma_start3A_297] : memref<32x4x16xf32, #tpu.memory_space<hbm>> -> memref<1x4x16xf32, #tpu.memory_space<hbm>>
      %dma_start3A_299 = tpu.memref_squeeze %dma_start3A_298 : memref<1x4x16xf32, #tpu.memory_space<hbm>> -> memref<4x16xf32, #tpu.memory_space<hbm>>
      %dma_start3A_300 = arith.constant 0 : i32
      %dma_start3A_301 = arith.constant 0 : i32
      %dma_start3A_302 = tpu.memref_slice %arg7[%add3A, %dma_start3A_300, %dma_start3A_301] : memref<32x4x16xf32, #tpu.memory_space<hbm>> -> memref<1x4x16xf32, #tpu.memory_space<hbm>>
      %dma_start3A_303 = tpu.memref_squeeze %dma_start3A_302 : memref<1x4x16xf32, #tpu.memory_space<hbm>> -> memref<4x16xf32, #tpu.memory_space<hbm>>
      tpu.enqueue_dma source(%arg18 : memref<4x16xf32, #tpu.memory_space<vmem>>) target(%dma_start3A_303 : memref<4x16xf32, #tpu.memory_space<hbm>>) target_semaphore(%run_scoped3A : memref<!tpu.dma_semaphore, #tpu.memory_space<semaphore_mem>>)
      %dma_wait3A_304 = arith.constant 0 : i32
      %dma_wait3A_305 = arith.constant 0 : i32
      %dma_wait3A_306 = tpu.memref_slice %arg7[%add3A, %dma_wait3A_304, %dma_wait3A_305] : memref<32x4x16xf32, #tpu.memory_space<hbm>> -> memref<1x4x16xf32, #tpu.memory_space<hbm>>
      %dma_wait3A_307 = tpu.memref_squeeze %dma_wait3A_306 : memref<1x4x16xf32, #tpu.memory_space<hbm>> -> memref<4x16xf32, #tpu.memory_space<hbm>>
      %dma_wait3A_308 = arith.constant 0 : i32
      %dma_wait3A_309 = arith.constant 0 : i32
      %dma_wait3A_310 = tpu.memref_slice %arg7[%add3A, %dma_wait3A_308, %dma_wait3A_309] : memref<32x4x16xf32, #tpu.memory_space<hbm>> -> memref<1x4x16xf32, #tpu.memory_space<hbm>>
      %dma_wait3A_311 = tpu.memref_squeeze %dma_wait3A_310 : memref<1x4x16xf32, #tpu.memory_space<hbm>> -> memref<4x16xf32, #tpu.memory_space<hbm>>
      tpu.wait_dma2 semaphore(%run_scoped3A : memref<!tpu.dma_semaphore, #tpu.memory_space<semaphore_mem>>) src(%arg18 : memref<4x16xf32, #tpu.memory_space<vmem>>) dst(%dma_wait3A_311 : memref<4x16xf32, #tpu.memory_space<hbm>>)
      tpu.yield
    }) : () -> ()
    return
  }
}

module attributes {stable_mosaic.version = 14 : i64} {
  func.func @_combine_body(%arg0: memref<32x4x16xf32, #tpu.memory_space<vmem>>, %arg1: memref<1x1xf32, #tpu.memory_space<smem>>) attributes {dimension_semantics = [], scalar_prefetch = 0 : i64, scratch_operands = 0 : i64, tpu.core_type = #tpu.core_type<tc>} {
    %get3A = arith.constant 0 : index
    %get3A_0 = arith.constant 0 : index
    %get3A_1 = arith.constant 0 : index
    %get3A_2 = vector.load %arg0[%get3A, %get3A_0, %get3A_1] : memref<32x4x16xf32, #tpu.memory_space<vmem>>, vector<32x4x16xf32>
    %slice3A = vector.extract_strided_slice %get3A_2 {offsets = [0, 0, 0], sizes = [32, 1, 16], strides = [1, 1, 1]} : vector<32x4x16xf32> to vector<32x1x16xf32>
    %squeeze3A = vector.shape_cast %slice3A : vector<32x1x16xf32> to vector<32x16xf32>
    %reduce_sum3A = vector.shape_cast %squeeze3A : vector<32x16xf32> to vector<1x32x16xf32>
    %reduce_sum3A_3 = arith.constant dense<0.000000e+00> : vector<1xf32>
    %reduce_sum3A_4 = vector.multi_reduction <add>, %reduce_sum3A, %reduce_sum3A_3 [1, 2] : vector<1x32x16xf32> to vector<1xf32>
    %reduce_sum3A_5 = vector.shape_cast %reduce_sum3A_4 : vector<1xf32> to vector<1x1x1xf32>
    %reduce_sum3A_6 = vector.extract %reduce_sum3A_5[0, 0, 0] : f32 from vector<1x1x1xf32>
    %slice3A_7 = vector.extract_strided_slice %get3A_2 {offsets = [0, 1, 0], sizes = [32, 1, 16], strides = [1, 1, 1]} : vector<32x4x16xf32> to vector<32x1x16xf32>
    %squeeze3A_8 = vector.shape_cast %slice3A_7 : vector<32x1x16xf32> to vector<32x16xf32>
    %reduce_sum3A_9 = vector.shape_cast %squeeze3A_8 : vector<32x16xf32> to vector<1x32x16xf32>
    %reduce_sum3A_10 = arith.constant dense<0.000000e+00> : vector<1xf32>
    %reduce_sum3A_11 = vector.multi_reduction <add>, %reduce_sum3A_9, %reduce_sum3A_10 [1, 2] : vector<1x32x16xf32> to vector<1xf32>
    %reduce_sum3A_12 = vector.shape_cast %reduce_sum3A_11 : vector<1xf32> to vector<1x1x1xf32>
    %reduce_sum3A_13 = vector.extract %reduce_sum3A_12[0, 0, 0] : f32 from vector<1x1x1xf32>
    %slice3A_14 = vector.extract_strided_slice %get3A_2 {offsets = [0, 2, 0], sizes = [32, 1, 16], strides = [1, 1, 1]} : vector<32x4x16xf32> to vector<32x1x16xf32>
    %squeeze3A_15 = vector.shape_cast %slice3A_14 : vector<32x1x16xf32> to vector<32x16xf32>
    %reduce_sum3A_16 = vector.shape_cast %squeeze3A_15 : vector<32x16xf32> to vector<1x32x16xf32>
    %reduce_sum3A_17 = arith.constant dense<0.000000e+00> : vector<1xf32>
    %reduce_sum3A_18 = vector.multi_reduction <add>, %reduce_sum3A_16, %reduce_sum3A_17 [1, 2] : vector<1x32x16xf32> to vector<1xf32>
    %reduce_sum3A_19 = vector.shape_cast %reduce_sum3A_18 : vector<1xf32> to vector<1x1x1xf32>
    %reduce_sum3A_20 = vector.extract %reduce_sum3A_19[0, 0, 0] : f32 from vector<1x1x1xf32>
    %slice3A_21 = vector.extract_strided_slice %get3A_2 {offsets = [0, 3, 0], sizes = [32, 1, 16], strides = [1, 1, 1]} : vector<32x4x16xf32> to vector<32x1x16xf32>
    %squeeze3A_22 = vector.shape_cast %slice3A_21 : vector<32x1x16xf32> to vector<32x16xf32>
    %reduce_sum3A_23 = vector.shape_cast %squeeze3A_22 : vector<32x16xf32> to vector<1x32x16xf32>
    %reduce_sum3A_24 = arith.constant dense<0.000000e+00> : vector<1xf32>
    %reduce_sum3A_25 = vector.multi_reduction <add>, %reduce_sum3A_23, %reduce_sum3A_24 [1, 2] : vector<1x32x16xf32> to vector<1xf32>
    %reduce_sum3A_26 = vector.shape_cast %reduce_sum3A_25 : vector<1xf32> to vector<1x1x1xf32>
    %reduce_sum3A_27 = vector.extract %reduce_sum3A_26[0, 0, 0] : f32 from vector<1x1x1xf32>
    %sub3A = arith.constant 4.000000e+05 : f32
    %sub3A_28 = arith.subf %sub3A, %reduce_sum3A_20 : f32
    %neg3A = arith.constant 0.000000e+00 : f32
    %neg3A_29 = arith.subf %neg3A, %reduce_sum3A_6 : f32
    %max3A = arith.constant 1.000000e+00 : f32
    %max3A_30 = arith.maximumf %reduce_sum3A_20, %max3A : f32
    %div3A = arith.divf %neg3A_29, %max3A_30 : f32
    %max3A_31 = arith.constant 1.000000e+00 : f32
    %max3A_32 = arith.maximumf %sub3A_28, %max3A_31 : f32
    %div3A_33 = arith.divf %reduce_sum3A_13, %max3A_32 : f32
    %sub3A_34 = arith.subf %div3A, %div3A_33 : f32
    %mul3A = arith.constant 5.000000e-01 : f32
    %mul3A_35 = arith.mulf %mul3A, %sub3A_34 : f32
    %div3A_36 = arith.constant 1.280000e+02 : f32
    %div3A_37 = arith.divf %reduce_sum3A_27, %div3A_36 : f32
    %mul3A_38 = arith.constant 1.200000e+00 : f32
    %mul3A_39 = arith.mulf %mul3A_38, %div3A_37 : f32
    %add3A = arith.addf %mul3A_35, %mul3A_39 : f32
    %swap3A = arith.constant 0 : index
    %swap3A_40 = arith.constant 0 : index
    %swap3A_41 = memref.load %arg1[%swap3A, %swap3A_40] : memref<1x1xf32, #tpu.memory_space<smem>>
    memref.store %add3A, %arg1[%swap3A, %swap3A_40] : memref<1x1xf32, #tpu.memory_space<smem>>
    return
  }
}

</mosaic_0001>

<sc_bundles>
// kernel: kernel.4.cloned.1.call-start
scs
__scs_entry_jumppad:
0x0: {  	(pc) =	sbr.rel $0x88, $3  }
0x1: {  	(tag) =	ssettag $0x0;
	lr =	simm.s32 $0x1  }
0x2: {  	[smem:$0x3F9C] =	sst lr;
	_ =	strace $0xD0000000  }
0x3: {  	_ = 	snop  }
0x4: {  	_ = 	snop  }
0x5: {  	_ = 	snop  }
0x6: {  	_ = 	snop  }
0x7: {  	_ = 	snop  }
__scs_overlays_trampoline_lowered:
0x8: {  	[smem:$0x3FAB] =	sst s0  }
0x9: {  	[smem:$0x3FAC] =	sst s1  }
0xa: {  	[smem:$0x3FAD] =	sst s2  }
0xb: {  	[smem:$0x3FAE] =	sst s3  }
0xc: {  	[smem:$0x3FAF] =	sst s4  }
0xd: {  	[smem:$0x3FB0] =	sst s5  }
0xe: {  	[smem:$0x3FB1] =	sst s6  }
0xf: {  	[smem:$0x3FB2] =	sst s7  }
0x10: {  	[smem:$0x3FB3] =	sst s8  }
0x11: {  	[smem:$0x3FB4] =	sst s9;
	s0 =	simm.s32 @!p0 $0x0  }
0x12: {  	s1 =	sld [smem:$0x3F9A];
	s0 =	simm.s32 @p0 $0x1  }
0x13: {  	[smem:$0x3FB5] =	sst s0;
	s0 =	simm.s32 @!p1 $0x0  }
0x14: {  	s2 =	sld [smem:$0x3F99];
	s0 =	simm.s32 @p1 $0x1  }
0x15: {  	[smem:$0x3FB6] =	sst s0;
	s0 =	simm.s32 @!p2 $0x0  }
0x16: {  	s3 =	sld [smem:$0x3FDB];
	s0 =	simm.s32 @p2 $0x1  }
0x17: {  	s4 =	simm.s32 $0x1BF5;
	[smem:$0x3FB8] =	sst s0  }
0x18: {  	s0 =	sld [smem:$0x3F9B];
	_ =	swait.ge [sflag:s4], $0x0  }
0x19: {  	s7 =	sld [smem:$0x3F9C]  }
0x1a: {  	s8 =	sadd.s32 $0xFFFFE003, lr  }
0x1b: {  	s9 =	sadd.s32 $0xFFFFFEF7, lr;
	s5 =	simm.s32 $0xFFFFFFFF;
	p2 =	slt.u32 s8, $0xFFFFF086  }
0x1c: {  	p1 =	slt.u32 s9, $0xF7A;
	s5 =	simm.s32 @!p2 $0x0  }
0x1d: {  	s5 =	simm.s32 @p1 $0x1;
	p0 =	seq.s32 s7, s2  }
0x1e: {  	s7 =	smul.u32 @!p0 $0xF7A, s2;
	p2 =	seq.s32 @!p0 s5, $0x0  }
0x1f: {  	s9 =	smul.u32 $0xF7A, s1;
	s8 =	simm.s32 @!p0 $0x1BF5;
	p2 =	por !p2, p0  }
0x20: {  	[sflag:s8] =	ssyncset.s32 @!p0 $0xFFFFF086;
	s6 =	sadd.s32 @!p0 s3, s7;
	s7 =	simm.s32 @!p0 $0x108  }
0x21: {  	s3 =	sadd.s32 s3, s9;
	s6 =	sadd.s32 @!p0 $0x88, s6;
	s7 =	simm.s32 @p2 $0x1082  }
0x22: {  	[simem:s7], [sflag:s8] =	dma.local @!p0 [hbm:s6], $0xF7A  }
0x23: {  	s9 =	sor.u32 $0xD0000000, s2;
	s6 =	simm.s32 $0x108;
	_ =	swait.ge @!p0 [sflag:s8], $0x0  }
0x24: {  	s3 =	sadd.s32 $0x88, s3;
	s6 =	simm.s32 @!p1 $0x1082;
	[sflag:s4] =	ssyncset.s32 $0xFFFFF086  }
0x25: {  	[simem:s6], [sflag:s4] =	dma.local [hbm:s3], $0xF7A  }
0x26: {  	[smem:$0x3F9C] =	sst s1;
	(tag) =	ssettag s2;
	_ =	strace s9  }
0x27: {  	s1 =	sld [smem:$0x3FAC]  }
0x28: {  	s2 =	sld [smem:$0x3FAD]  }
0x29: {  	s4 =	sld [smem:$0x3FAF]  }
0x2a: {  	p0 =	seq.s32 s5, $0x0;
	s5 =	sld [smem:$0x3FB0]  }
0x2b: {  	s6 =	sld [smem:$0x3FB1]  }
0x2c: {  	s7 =	sld [smem:$0x3FB2]  }
0x2d: {  	s3 =	simm.s32 $0x108;
	s8 =	sld [smem:$0x3FB3]  }
0x2e: {  	s3 =	simm.s32 @!p0 $0x1082;
	s9 =	sld [smem:$0x3FB4]  }
0x2f: {  	lr =	sadd.s32 s0, s3;
	s0 =	sld [smem:$0x3FAB]  }
0x30: {  	s3 =	sld [smem:$0x3FAE]  }
0x31: {  	[smem:$0x3FB7] =	sst s10  }
0x32: {  	s10 =	sld [smem:$0x3FB5];
	_ =	sdelay $0x3  }
0x33: {  	p0 =	seq.s32 s10, $0x1;
	s10 =	sld [smem:$0x3FB7];
	_ =	sdelay $0x3  }
0x34: {  	[smem:$0x3FB7] =	sst s10  }
0x35: {  	s10 =	sld [smem:$0x3FB6];
	_ =	sdelay $0x3  }
0x36: {  	p1 =	seq.s32 s10, $0x1;
	s10 =	sld [smem:$0x3FB7];
	_ =	sdelay $0x3  }
0x37: {  	[smem:$0x3FB7] =	sst s10  }
0x38: {  	s10 =	sld [smem:$0x3FB8]  }
0x39: {  	_ = 	snop;
	(pc) =	sbr.ind lr, $3  }
0x3a: {  	_ = 	snop  }
0x3b: {  	_ = 	snop  }
0x3c: {  	p2 =	seq.s32 s10, $0x1;
	s10 =	sld [smem:$0x3FB7]  }
0x3d: {  	_ =	shalt  }
0x3e: {  	_ =	shalt  }
0x3f: {  	_ =	shalt  }
0x40: {  	_ =	shalt  }
0x41: {  	_ =	shalt  }
0x42: {  	_ =	shalt  }
0x43: {  	_ =	shalt  }
0x44: {  	_ =	shalt  }
0x45: {  	_ =	shalt  }
0x46: {  	_ =	shalt  }
0x47: {  	_ =	shalt  }
0x48: {  	_ =	shalt  }
0x49: {  	_ =	shalt  }
0x4a: {  	_ =	shalt  }
0x4b: {  	_ =	shalt  }
0x4c: {  	_ =	shalt  }
0x4d: {  	_ =	shalt  }
0x4e: {  	_ =	shalt  }
0x4f: {  	_ =	shalt  }
0x50: {  	_ =	shalt  }
0x51: {  	_ =	shalt  }
0x52: {  	_ =	shalt  }
0x53: {  	_ =	shalt  }
0x54: {  	_ =	shalt  }
0x55: {  	_ =	shalt  }
0x56: {  	_ =	shalt  }
0x57: {  	_ =	shalt  }
0x58: {  	_ =	shalt  }
0x59: {  	_ =	shalt  }
0x5a: {  	_ =	shalt  }
0x5b: {  	_ =	shalt  }
0x5c: {  	_ =	shalt  }
0x5d: {  	_ =	shalt  }
0x5e: {  	_ =	shalt  }
0x5f: {  	_ =	shalt  }
0x60: {  	_ =	shalt  }
0x61: {  	_ =	shalt  }
0x62: {  	_ =	shalt  }
0x63: {  	_ =	shalt  }
0x64: {  	_ =	shalt  }
0x65: {  	_ =	shalt  }
0x66: {  	_ =	shalt  }
0x67: {  	_ =	shalt  }
0x68: {  	_ =	shalt  }
0x69: {  	_ =	shalt  }
0x6a: {  	_ =	shalt  }
0x6b: {  	_ =	shalt  }
0x6c: {  	_ =	shalt  }
0x6d: {  	_ =	shalt  }
0x6e: {  	_ =	shalt  }
0x6f: {  	_ =	shalt  }
0x70: {  	_ =	shalt  }
0x71: {  	_ =	shalt  }
0x72: {  	_ =	shalt  }
0x73: {  	_ =	shalt  }
0x74: {  	_ =	shalt  }
0x75: {  	_ =	shalt  }
0x76: {  	_ =	shalt  }
0x77: {  	_ =	shalt  }
0x78: {  	_ =	shalt  }
0x79: {  	_ =	shalt  }
0x7a: {  	_ =	shalt  }
0x7b: {  	_ =	shalt  }
0x7c: {  	_ =	shalt  }
0x7d: {  	_ =	shalt  }
0x7e: {  	_ =	shalt  }
0x7f: {  	_ =	shalt  }
0x80: {  	_ =	shalt  }
0x81: {  	_ =	shalt  }
0x82: {  	_ =	shalt  }
0x83: {  	_ =	shalt  }
0x84: {  	_ =	shalt  }
0x85: {  	_ =	shalt  }
0x86: {  	_ =	shalt  }
0x87: {  	_ =	shalt  }
.Lfunc_end0:
.L_simem_size_0:
called_computation_lowered:
.L_overlay_start_0:
0x88: {  	s2 =	sld [smem:$0x3FD9]  }
0x89: {  	s3 =	sld [smem:$0x3FFE];
	_ =	sdelay $0x1  }
0x8a: {  	s1 =	srdreg.scid  }
0x8b: {  	s0 =	sand.u32 $0x1, s1  }
0x8c: {  	s16 =	sshll.u32 s0, $0xA;
	s2 =	sadd.s32 s3, s2  }
0x8d: {  	s2 =	sadd.s32 s2, s16  }
0x8e: {  	[smem:$0x3FC3] =	sst s2  }
0x8f: {  	_ = 	snop  }
0x90: {  	(tm) =	ssettm $0x1  }
0x91: {  	s17 =	sld [smem:$0x3FFB];
	_ =	sdelay $0x3  }
0x92: {  	_ =	strace s17  }
0x93: {  	s2 =	sld [smem:$0x3FFC];
	_ =	sdelay $0x3  }
0x94: {  	_ =	strace s2  }
0x95: {  	s2 =	sld [smem:$0x3FFD];
	_ =	sdelay $0x3  }
0x96: {  	_ =	strace s2  }
0x97: {  	_ =	strace $0x8FFFFFFF  }
0x98: {  	s18 =	sld [smem:$0x3FDB];
	_ =	sdelay $0x1  }
0x99: {  	s19 =	simm.s32 $_scs_section_size  }
0x9a: {  	s4 =	simm.s32 $_size__tile_overlayer_lowered;
	s5 =	simm.s32 $_tile_overlayer_lowered  }
0x9b: {  	s22 =	simm.s32 $0x1BFF;
	s21 =	sshll.u32 s5, $0x1;
	s2 =	sadd.s32 s19, s18  }
0x9c: {  	s6 =	simm.s32 $0x0;
	s20 =	sshll.u32 s4, $0x1;
	s4 =	sadd.s32 s21, s2  }
0x9d: {  	[timem:s6], [sflag:s22] =	dma.local [hbm:s4], s20  }
0x9e: {  	_ =	swait.ge [sflag:s22], s20  }
0x9f: {  	s3 =	ssub.s32 $0x0, s20;
	[sflag:s22] =	ssyncset.done $0x0  }
0xa0: {  	[sflag:s22] =	ssyncadd.s32 s3;
	_ =	sdelay $0x1  }
0xa1: {  	s23 =	simm.s32 $0x1B8B  }
0xa2: {  	_ =	swait.ge [sflag:s23], $0x1  }
0xa3: {  	[sflag:s23] =	ssyncset.done $0x0  }
0xa4: {  	s25 =	simm.s32 $0x1B8E;
	s24 =	sld [smem:$0x3FFE];
	[sflag:s23] =	ssyncadd.s32 $0xFFFFFFFF  }
0xa5: {  	s26 =	simm.s32 $execute0_lowered;
	[smem:$0x3FD2] =	sst s25  }
0xa6: {  	s4 =	sshll.u32 s26, $0x1;
	_ =	strace $0x80000046;
	[dreg:$0x1] =	wrdreg $0xFFFFFFFF  }
0xa7: {  	s28 =	simm.s32 $_size_execute0_lowered;
	s2 =	sadd.s32 s2, s4;
	[dreg:$0x0] =	wrdreg $0x0  }
0xa8: {  	s4 =	sshll.u32 s28, $0x1;
	[dreg:$0x2] =	wrdreg s2  }
0xa9: {  	[dreg:$0x3] =	wrdreg s4  }
0xaa: {  	[dreg:$0x4] =	wrdreg $0xC0  }
0xab: {  	_ =	task [dreg:s6], $0x5FFFF  }
0xac: {  	[dreg:$0x1] =	wrdreg $0xFFFFFFFF  }
0xad: {  	[dreg:$0x0] =	wrdreg $0x60  }
0xae: {  	[dreg:$0x2] =	wrdreg s24  }
0xaf: {  	[dreg:$0x3] =	wrdreg $0x9  }
0xb0: {  	_ =	task.clear_ibuf [dreg:s6], $0x4FFFF;
	_ =	strace $0x90000046  }
0xb1: {  	s29 =	simm.s32 $0x9;
	_ =	strace $0x80000048  }
0xb2: {  	_ =	swait.ge [sflag:s29], $0x1  }
0xb3: {  	[sflag:s29] =	ssyncadd.s32 $0xFFFFFFFF  }
0xb4: {  	_ =	strace $0x90000048  }
0xb5: {  	_ =	sfence  }
0xb6: {  	s30 =	sld [smem:$0x0];
	_ =	sdelay $0x2  }
0xb7: {  	s31 =	sshll.u32 s1, $0xD;
	s1 =	sshrl.u32 s1, $0x2  }
0xb8: {  	s3 =	sand.u32 $0x4000, s31;
	s1 =	sadd.s32 s1, s30  }
0xb9: {  	s0 =	sor.u32 s3, s0;
	s1 =	sshll.u32 s1, $0x11  }
0xba: {  	s0 =	sor.u32 s1, s0  }
0xbb: {  	s0 =	sadd.s32 $0x8F2B, s0  }
0xbc: {  	[sflag:s0] =	ssyncadd.remote.s32 $0x1  }
0xbd: {  	_ =	sfence.sel $0xFFFF  }
0xbe: {  	[dreg:$0x0] =	wrdreg $0xFFFFFFFF;
	(pc) =	sbr.abs _section_cstart, $3  }
0xbf: {  	[dreg:$0x1] =	wrdreg $0xFFFFFFFF  }
0xc0: {  	_ =	task.clear_ibuf [dreg:s6], $0x2FFFF;
	_ =	strace $0x9FFFFFFF  }
0xc1: {  	(tm) =	ssettm $0x7FFFFFFF  }
tec
execute0_lowered:
.L_overlay_start_1:
0x0: {  	(tag) =	ssettag $0x1  }
0x1: {  	s0 =	rddreg [dreg:$0x0]  }
0x2: {  	s1 =	simm.s32 $0x0;
	s5 =	srdreg.scid;
	s22 =	stileid.u32  }
0x3: {  	s28 =	simm.s32 $0xC80;
	s29 =	simm.s32 $0x2500;
	s30 =	simm.s32 $0x5600  }
0x4: {  	s31 =	simm.s32 $0x1;
	[smem:$0x7FF] =	sst s1;
	s2 =	sadd.s32 $0x88400, s0  }
0x5: {  	s3 =	sadd.s32 $0x63400, s0;
	s4 =	sadd.s32 $0x32400, s0;
	s9 =	smul.u32 $0x6400, s22  }
0x6: {  	s6 =	sadd.s32 $0x1400, s0;
	s5 =	sand.u32 $0x1, s5;
	s11 =	smul.u32 $0xC400, s22  }
0x7: {  	s7 =	sadd.s32 $0x7BC00, s0;
	s14 =	smul.u32 $0x18800, s22;
	s10 =	ssub.s32 $0x2, s5  }
0x8: {  	s8 =	sshll.u32 s5, $0x6;
	s5 =	sshll.u32 s5, $0x9;
	s12 =	sshrl.u32 s10, $0x1  }
0x9: {  	s13 =	sor.u32 s5, s9;
	s0 =	sadd.s32 s8, s0;
	s15 =	sor.u32 s5, s11  }
0xa: {  	s16 =	sor.u32 s5, s14;
	s24 =	sor.u32 $0x100, s5;
	s8 =	ssub.s32 s10, s12  }
0xb: {  	s26 =	sshrl.u32 s13, $0x3;
	s12 =	sshrl.u32 s15, $0x3;
	s15 =	sor.u32 $0x80, s5  }
0xc: {  	s25 =	sor.u32 s9, s24;
	s5 =	sor.u32 $0x180, s5;
	s13 =	sadd.s32 s2, s26  }
0xd: {  	s12 =	sadd.s32 s3, s12;
	s18 =	sor.u32 s9, s15;
	s19 =	sor.u32 s11, s15  }
0xe: {  	s10 =	sadd.s32 s7, s26;
	s23 =	sor.u32 s14, s15;
	[dreg:$0x2] =	wrdreg s13  }
0xf: {  	s9 =	sor.u32 s9, s5;
	s15 =	sshrl.u32 s25, $0x3;
	[dreg:$0x3] =	wrdreg s12  }
0x10: {  	s13 =	sshrl.u32 s16, $0x3;
	s12 =	sshrl.u32 s18, $0x3;
	[dreg:$0x6] =	wrdreg s10  }
0x11: {  	s21 =	sshrl.u32 s19, $0x3;
	s16 =	sor.u32 s11, s24;
	s11 =	sor.u32 s11, s5  }
0x12: {  	s5 =	sor.u32 s14, s5;
	s19 =	sadd.s32 s2, s15;
	s17 =	sadd.s32 s4, s13  }
0x13: {  	s25 =	sshrl.u32 s9, $0x3;
	s13 =	sadd.s32 s6, s13;
	[dreg:$0x4] =	wrdreg s17  }
0x14: {  	s9 =	simm.s32 $0x0;
	s20 =	sadd.s32 s2, s12;
	[dreg:$0x5] =	wrdreg s13  }
0x15: {  	s10 =	sadd.s32 s3, s21;
	s12 =	sadd.s32 s7, s12;
	[dreg:$0x7] =	wrdreg s20  }
0x16: {  	[dreg:$0x8] =	wrdreg s10;
	s10 =	sshrl.u32 s23, $0x3;
	s13 =	sor.u32 s14, s24  }
0x17: {  	[dreg:$0xb] =	wrdreg s12;
	s14 =	sshrl.u32 s16, $0x3;
	s20 =	sshrl.u32 s11, $0x3  }
0x18: {  	s23 =	sshrl.u32 s5, $0x3;
	s5 =	simm.s32 $0x11A80;
	s26 =	sadd.s32 s4, s10  }
0x19: {  	s10 =	sadd.s32 s6, s10;
	s21 =	sshrl.u32 s13, $0x3;
	[dreg:$0x9] =	wrdreg s26  }
0x1a: {  	s17 =	sadd.s32 s4, s23;
	s18 =	sadd.s32 s6, s23;
	[dreg:$0xa] =	wrdreg s10  }
0x1b: {  	s10 =	sadd.s32 s3, s14;
	s3 =	sadd.s32 s3, s20;
	s24 =	sadd.s32 s4, s21  }
0x1c: {  	s16 =	sadd.s32 s6, s21;
	s20 =	sadd.s32 s7, s15;
	s21 =	sadd.s32 s2, s25  }
0x1d: {  	s26 =	sshll.u32 s22, $0x7;
	s22 =	sadd.s32 s7, s25;
	s25 =	simm.s32 $0x80  }
0x1e: {  	s2 =	simm.s32 $0xA000;
	s4 =	simm.s32 $0xE980;
	[dreg:$0xc] =	wrdreg s10  }
0x1f: {  	s6 =	simm.s32 $0x2;
	s7 =	simm.s32 $0x8700;
	[dreg:$0xd] =	wrdreg s3  }
0x20: {  	[dreg:$0xe] =	wrdreg s24;
	s0 =	sadd.s32 s26, s0;
	s24 =	smax.u32 s8, $0x1  }
0x21: {  	s26 =	simm.s32 $0x400;
	s3 =	simm.s32 $0xB880;
	s8 =	simm.s32 $0x3  }
0x22: {  	v0 =	vlaneseq.u32;
	v1 =	vimm.f32 $0.0e+00;
	_ =	strace $0x80000047;
	s23 =	sadd.s32 $0x94C00, s0;
	s0 =	simm.s32 $0x9380  }
.LBB2_1:
0x23: {  	s10 =	rddreg [dreg:$0x2]  }
0x24: {  	[tilespmem:s1], [sflag:$0x1] =	stream.strided.gather [hbm4b:s10+s25], $0xC80, s26, s25, $0x38;
	[tilespmem:$0x12900] =	vst v63  }
0x25: {  	s11 =	rddreg [dreg:$0x3]  }
0x26: {  	[tilespmem:s28], [sflag:$0x1] =	stream.strided.gather [hbm4b:s11+s25], $0x1880, s26, s25, $0x38;
	[tilespmem:$0x12900] =	vst v63  }
0x27: {  	s12 =	rddreg [dreg:$0x4]  }
0x28: {  	[tilespmem:s29], [sflag:$0x1] =	stream.strided.gather [hbm4b:s12+s25], $0x3100, s26, s25, $0x38;
	[tilespmem:$0x12900] =	vst v63  }
0x29: {  	s13 =	rddreg [dreg:$0x5]  }
0x2a: {  	[tilespmem:s30], [sflag:$0x1] =	stream.strided.gather [hbm4b:s13+s25], $0x3100, s26, s25, $0x38;
	[tilespmem:$0x12900] =	vst v63  }
0x2b: {  	s14 =	rddreg [dreg:$0x6]  }
0x2c: {  	[tilespmem:s7], [sflag:$0x1] =	stream.strided.gather [hbm4b:s14+s25], $0xC80, s26, s25, $0x38;
	[tilespmem:$0x12900] =	vst v63  }
0x2d: {  	_ =	swait.ge [sflag:s31], $0xC80  }
0x2e: {  	[sflag:s31] =	ssyncset.done $0x0  }
0x2f: {  	[sflag:s31] =	ssyncadd.s32 $0xFFFFF380  }
0x30: {  	_ =	swait.ge [sflag:s31], $0x1880  }
0x31: {  	[sflag:s31] =	ssyncset.done $0x0  }
0x32: {  	[sflag:s31] =	ssyncadd.s32 $0xFFFFE780  }
0x33: {  	_ =	swait.ge [sflag:s31], $0x3100  }
0x34: {  	[sflag:s31] =	ssyncset.done $0x0  }
0x35: {  	[sflag:s31] =	ssyncadd.s32 $0xFFFFCF00  }
0x36: {  	_ =	swait.ge [sflag:s31], $0x3100  }
0x37: {  	[sflag:s31] =	ssyncset.done $0x0  }
0x38: {  	[sflag:s31] =	ssyncadd.s32 $0xFFFFCF00  }
0x39: {  	_ =	swait.ge [sflag:s31], $0xC80  }
0x3a: {  	[sflag:s31] =	ssyncset.done $0x0  }
0x3b: {  	s15 =	rddreg [dreg:$0x7];
	[sflag:s31] =	ssyncadd.s32 $0xFFFFF380  }
0x3c: {  	[tilespmem:s0], [sflag:$0x2] =	stream.strided.gather [hbm4b:s15+s25], $0xC80, s26, s25, $0x38;
	[tilespmem:$0x12900] =	vst v63  }
0x3d: {  	s11 =	rddreg [dreg:$0x8]  }
0x3e: {  	[tilespmem:s2], [sflag:$0x2] =	stream.strided.gather [hbm4b:s11+s25], $0x1880, s26, s25, $0x38;
	[tilespmem:$0x12900] =	vst v63  }
0x3f: {  	s12 =	rddreg [dreg:$0x9]  }
0x40: {  	[tilespmem:s3], [sflag:$0x2] =	stream.strided.gather [hbm4b:s12+s25], $0x3100, s26, s25, $0x38;
	[tilespmem:$0x12900] =	vst v63  }
0x41: {  	s13 =	rddreg [dreg:$0xa]  }
0x42: {  	[tilespmem:s4], [sflag:$0x2] =	stream.strided.gather [hbm4b:s13+s25], $0x3100, s26, s25, $0x38;
	[tilespmem:$0x12900] =	vst v63  }
0x43: {  	s14 =	rddreg [dreg:$0xb];
	s15 =	simm.s32 $0x6E6A  }
0x44: {  	[tilespmem:s5], [sflag:$0x2] =	stream.strided.gather [hbm4b:s14+s25], $0xC80, s26, s25, $0x38;
	[tilespmem:$0x12900] =	vst v63  }
0x45: {  	s11 =	simm.s32 $0x3135;
	v2 =	vld [tilespmem:s15+$0xFFFFF3CB]  }
0x46: {  	v3 =	vld [tilespmem:s11+$0x0]  }
0x47: {  	v4 =	vld [tilespmem:s1+$0x0]  }
0x48: {  	v5 =	vld [tilespmem:s15+$0xFFFFE796]  }
0x49: {  	v6 =	vld [tilespmem:s11+$0xFFFFF3CB]  }
0x4a: {  	v7 =	vld [tilespmem:s15+$0x0]  }
0x4b: {  	v8 =	vld [tilespmem:s11+$0xC35]  }
0x4c: {  	v9 =	vld [tilespmem:s15+$0xC35]  }
0x4d: {  	v10 =	vld [tilespmem:s11+$0x186A];
	v2 =	vsub.f32 v3, v2;
	v3 =	vor.u32 s1, v0  }
0x4e: {  	s12 =	simm.s32 $0x6E7A;
	v5 =	vsub.f32 v6, v5;
	v11 =	vshll.u32 v3, $0x1  }
0x4f: {  	v12 =	vld [tilespmem:s12+$0xFFFFF3CB];
	vm0 =	vlt.u32 v3, $0xC35;
	v3 =	vadd.s32 v11, v4;
	v2 =	vand.u32 $0x7FFFFFFF, v2  }
0x50: {  	s10 =	simm.s32 $0x3145;
	v14 =	vld [tilespmem:s12+$0xFFFFE796];
	v11 =	vnsel vm0, $0x0, v3;
	v3 =	vand.u32 $0x7FFFFFFF, v5;
	v5 =	vsub.f32 v8, v7  }
0x51: {  	v8 =	vld [tilespmem:s10+$0x0];
	v2 =	vadd.f32 v2, v3  }
0x52: {  	s11 =	simm.s32 $0x10;
	v6 =	vld [tilespmem:s7+$0x0];
	vm3 =	vmmov vm0;
	v7 =	vsub.f32 v10, v9;
	v5 =	vand.u32 $0x7FFFFFFF, v5  }
0x53: {  	v4 =	vnsel vm3, $0xFFFFFFFE, v4;
	v3 =	vld [tilespmem:s11+$0x0];
	v2 =	vadd.f32 v5, v2  }
0x54: {  	vm0 =	veq.s32 v4, $0x1;
	v9 =	vand.u32 $0x7FFFFFFF, v7;
	v5 =	vld [tilespmem:s10+$0xFFFFF3CB]  }
0x55: {  	v10 =	vsel vm0, $0x3F800000, v1;
	v7 =	vld.idx.msk [tilespmem:v11+s28+$0x0], $0xffff;
	v9 =	vadd.f32 v9, v2  }
0x56: {  	v2 =	vadd.f32 v10, v1;
	v8 =	vsub.f32 v8, v12;
	v10 =	vld [tilespmem:s12+$0x0];
	v11 =	vor.u32 s11, v0  }
0x57: {  	vm1 =	veq.s32 v4, $0x0;
	v12 =	vld [tilespmem:s10+$0xC35];
	v13 =	vshll.u32 v11, $0x1;
	vm2 =	vlt.u32 v11, $0xC35  }
0x58: {  	v11 =	vld [tilespmem:s10+$0x186A];
	v4 =	vmul.f32 v9, v6;
	v6 =	vadd.s32 v13, v3;
	v13 =	vand.u32 $0x7FFFFFFF, v8  }
0x59: {  	v9 =	vld [tilespmem:s12+$0xC35];
	s12 =	simm.s32 $0x8710;
	v8 =	vimm.f32 $0.0e+00;
	v16 =	vnsel vm2, $0x0, v6;
	v15 =	vsub.f32 v5, v14  }
0x5a: {  	s13 =	simm.s32 $0x20;
	s14 =	simm.s32 $0x6E8A;
	v5 =	vld [tilespmem:s12+$0x0];
	v6 =	vimm.f32 $0.0e+00;
	v14 =	vnsel vm3, $0x0, v4;
	v4 =	vimm.f32 $0.0e+00  }
.LBB2_2:
0x5b: {  	p0 =	sne.s32 s13, $0xC30;
	v18 =	vnsel vm0, $0x0, v7  }
0x5c: {  	v17 =	vld [tilespmem:s14+$0xFFFFF3CB];
	s10 =	sadd.s32 $0x10, s10;
	v7 =	vnsel vm1, $0x0, v7;
	v8 =	vadd.f32 v14, v8;
	vm3 =	vmmov vm2;
	s15 =	smov.u32 s13;
	s13 =	sadd.s32 $0x10, s13  }
0x5d: {  	s11 =	sadd.s32 $0x10, s11;
	v14 =	vld [tilespmem:s10+$0x0];
	v15 =	vand.u32 $0x7FFFFFFF, v15;
	v10 =	vsub.f32 v12, v10;
	v6 =	vadd.f32 v18, v6  }
0x5e: {  	v18 =	vnsel vm3, $0xFFFFFFFE, v3;
	v4 =	vadd.f32 v7, v4;
	v3 =	vld [tilespmem:s11+$0x0];
	v12 =	vadd.f32 v13, v15  }
0x5f: {  	vm0 =	veq.s32 v18, $0x1;
	v15 =	vld [tilespmem:s14+$0xFFFFE796];
	v10 =	vand.u32 $0x7FFFFFFF, v10;
	v9 =	vsub.f32 v11, v9  }
0x60: {  	v11 =	vsel vm0, $0x3F800000, v1;
	v7 =	vld.idx.msk [tilespmem:v16+s28+$0x0], $0xffff;
	v12 =	vadd.f32 v10, v12  }
0x61: {  	v2 =	vadd.f32 v11, v2;
	v19 =	vld [tilespmem:s10+$0xFFFFF3CB];
	v9 =	vand.u32 $0x7FFFFFFF, v9  }
.Ltmp0:
0x62: {  	v11 =	vsub.f32 v14, v17;
	v10 =	vld [tilespmem:s14+$0x0];
	v13 =	vadd.f32 v9, v12;
	(pc) =	sbr.rel @p0 .LBB2_2-.Ltmp0, $4  }
0x63: {  	v14 =	vor.u32 s15, v0;
	v12 =	vld [tilespmem:s10+$0xC35]  }
0x64: {  	vm1 =	veq.s32 v18, $0x0;
	v16 =	vshll.u32 v14, $0x1;
	v9 =	vld [tilespmem:s14+$0xC35];
	v17 =	vmul.f32 v13, v5  }
0x65: {  	s12 =	sadd.s32 $0x10, s12;
	vm2 =	vlt.u32 v14, $0xC35;
	v5 =	vadd.s32 v16, v3;
	v13 =	vand.u32 $0x7FFFFFFF, v11;
	v11 =	vld [tilespmem:s10+$0x186A]  }
0x66: {  	s14 =	sadd.s32 $0x10, s14;
	v16 =	vnsel vm2, $0x0, v5;
	v5 =	vld [tilespmem:s12+$0x0];
	v15 =	vsub.f32 v19, v15;
	v14 =	vnsel vm3, $0x0, v17  }
0x67: {  	_ =	sdelay $0x3  }
0x68: {  	v16 =	vld.idx.msk [tilespmem:v16+s28+$0x0], $0xffff;
	_ =	swait.ge [sflag:s6], $0xC80  }
0x69: {  	[sflag:s6] =	ssyncset.done $0x0  }
0x6a: {  	[sflag:s6] =	ssyncadd.s32 $0xFFFFF380  }
0x6b: {  	_ =	swait.ge [sflag:s6], $0x1880  }
0x6c: {  	[sflag:s6] =	ssyncset.done $0x0  }
0x6d: {  	[sflag:s6] =	ssyncadd.s32 $0xFFFFE780  }
0x6e: {  	_ =	swait.ge [sflag:s6], $0x3100  }
0x6f: {  	[sflag:s6] =	ssyncset.done $0x0  }
0x70: {  	[sflag:s6] =	ssyncadd.s32 $0xFFFFCF00  }
0x71: {  	_ =	swait.ge [sflag:s6], $0x3100  }
0x72: {  	[sflag:s6] =	ssyncset.done $0x0  }
0x73: {  	[sflag:s6] =	ssyncadd.s32 $0xFFFFCF00  }
0x74: {  	_ =	swait.ge [sflag:s6], $0xC80  }
0x75: {  	[sflag:s6] =	ssyncset.done $0x0  }
0x76: {  	s10 =	simm.s32 $0x0;
	[sflag:s6] =	ssyncadd.s32 $0xFFFFF380  }
0x77: {  	[tilespmem:s10], [sflag:$0x1] =	stream.strided.gather [hbm4b:s19+s25], $0xC80, s26, s25, $0x38;
	[tilespmem:$0x12900] =	vst v63  }
0x78: {  	s11 =	rddreg [dreg:$0xc]  }
0x79: {  	[tilespmem:s28], [sflag:$0x1] =	stream.strided.gather [hbm4b:s11+s25], $0x1880, s26, s25, $0x38;
	[tilespmem:$0x12900] =	vst v63  }
0x7a: {  	s14 =	rddreg [dreg:$0xe]  }
0x7b: {  	[tilespmem:s29], [sflag:$0x1] =	stream.strided.gather [hbm4b:s14+s25], $0x3100, s26, s25, $0x38;
	[tilespmem:$0x12900] =	vst v63  }
0x7c: {  	_ = 	snop  }
0x7d: {  	[tilespmem:s30], [sflag:$0x1] =	stream.strided.gather [hbm4b:s16+s25], $0x3100, s26, s25, $0x38;
	[tilespmem:$0x12900] =	vst v63  }
0x7e: {  	s15 =	simm.s32 $0x101EA  }
0x7f: {  	[tilespmem:s7], [sflag:$0x1] =	stream.strided.gather [hbm4b:s20+s25], $0xC80, s26, s25, $0x38;
	[tilespmem:$0x12900] =	vst v63  }
0x80: {  	s12 =	simm.s32 $0xC4B5;
	v15 =	vand.u32 $0x7FFFFFFF, v15;
	v10 =	vsub.f32 v12, v10;
	v12 =	vld [tilespmem:s15+$0xFFFFF3CB]  }
0x81: {  	s13 =	simm.s32 $0x9380;
	v13 =	vadd.f32 v13, v15;
	v15 =	vld [tilespmem:s12+$0x0]  }
0x82: {  	v10 =	vand.u32 $0x7FFFFFFF, v10;
	v9 =	vsub.f32 v11, v9;
	v11 =	vld [tilespmem:s13+$0x0]  }
0x83: {  	v10 =	vadd.f32 v10, v13;
	v13 =	vld [tilespmem:s15+$0xFFFFE796]  }
0x84: {  	v8 =	vadd.f32 v14, v8;
	v9 =	vand.u32 $0x7FFFFFFF, v9;
	v14 =	vld [tilespmem:s12+$0xFFFFF3CB]  }
0x85: {  	v17 =	vnsel vm0, $0x0, v7;
	v7 =	vnsel vm1, $0x0, v7;
	v9 =	vadd.f32 v9, v10;
	v10 =	vld [tilespmem:s15+$0x0]  }
0x86: {  	vm0 =	vmmov vm2;
	v6 =	vadd.f32 v17, v6;
	v17 =	vadd.f32 v7, v4;
	v7 =	vld [tilespmem:s12+$0xC35]  }
0x87: {  	v3 =	vnsel vm0, $0xFFFFFFFE, v3;
	v4 =	vor.u32 s10, v0  }
0x88: {  	vm1 =	veq.s32 v3, $0x1;
	v5 =	vmul.f32 v9, v5;
	v9 =	vshll.u32 v4, $0x1;
	v18 =	vld [tilespmem:s15+$0xC35]  }
0x89: {  	vm2 =	vlt.u32 v4, $0xC35;
	vm3 =	veq.s32 v3, $0x0;
	s13 =	simm.s32 $0x11A80;
	v4 =	vadd.s32 v9, v11;
	v9 =	vld [tilespmem:s12+$0x186A]  }
0x8a: {  	s14 =	simm.s32 $0x101FA;
	v12 =	vsub.f32 v15, v12;
	v19 =	vnsel vm2, $0x0, v4;
	v4 =	vsub.f32 v14, v13;
	v13 =	vld [tilespmem:s13+$0x0]  }
0x8b: {  	v5 =	vnsel vm0, $0x0, v5;
	s10 =	simm.s32 $0xC4C5;
	v15 =	vsel vm1, $0x3F800000, v1;
	v7 =	vsub.f32 v7, v10;
	v14 =	vld [tilespmem:s14+$0xFFFFF3CB]  }
0x8c: {  	s11 =	simm.s32 $0x9390;
	v10 =	vnsel vm1, $0x0, v16;
	v3 =	vand.u32 $0x7FFFFFFF, v12;
	v12 =	vld [tilespmem:s10+$0x0];
	v4 =	vand.u32 $0x7FFFFFFF, v4  }
0x8d: {  	v2 =	vadd.f32 v15, v2;
	v15 =	vnsel vm3, $0x0, v16;
	v16 =	vadd.f32 v3, v4;
	v3 =	vld [tilespmem:s11+$0x0]  }
0x8e: {  	vm3 =	vmmov vm2;
	v20 =	vand.u32 $0x7FFFFFFF, v7;
	v9 =	vsub.f32 v9, v18;
	v18 =	vld [tilespmem:s14+$0xFFFFE796]  }
0x8f: {  	v4 =	vadd.f32 v5, v8;
	v8 =	vnsel vm3, $0xFFFFFFFE, v11;
	v7 =	vld.idx.msk [tilespmem:v19+s2+$0x0], $0xffff;
	v11 =	vadd.f32 v20, v16  }
0x90: {  	v5 =	vadd.f32 v10, v6;
	vm0 =	veq.s32 v8, $0x1;
	v19 =	vld [tilespmem:s10+$0xFFFFF3CB];
	v9 =	vand.u32 $0x7FFFFFFF, v9  }
0x91: {  	s15 =	simm.s32 $0x10;
	v6 =	vadd.f32 v15, v17;
	v10 =	vld [tilespmem:s14+$0x0];
	v15 =	vsel vm0, $0x3F800000, v1;
	v11 =	vadd.f32 v9, v11  }
0x92: {  	v2 =	vadd.f32 v15, v2;
	v14 =	vsub.f32 v12, v14;
	v15 =	vor.u32 s15, v0;
	v12 =	vld [tilespmem:s10+$0xC35]  }
0x93: {  	vm2 =	veq.s32 v8, $0x0;
	v16 =	vshll.u32 v15, $0x1;
	v9 =	vld [tilespmem:s14+$0xC35];
	v17 =	vmul.f32 v11, v13  }
0x94: {  	s12 =	simm.s32 $0x11A90;
	vm1 =	vlt.u32 v15, $0xC35;
	v8 =	vadd.s32 v16, v3;
	v13 =	vand.u32 $0x7FFFFFFF, v14;
	v11 =	vld [tilespmem:s10+$0x186A]  }
0x95: {  	s13 =	simm.s32 $0x20;
	s14 =	simm.s32 $0x1020A;
	v16 =	vnsel vm1, $0x0, v8;
	v8 =	vld [tilespmem:s12+$0x0];
	v15 =	vsub.f32 v19, v18;
	v14 =	vnsel vm3, $0x0, v17  }
.LBB2_4:
0x96: {  	p0 =	sne.s32 s13, $0xC30;
	v18 =	vnsel vm0, $0x0, v7  }
0x97: {  	v17 =	vld [tilespmem:s14+$0xFFFFF3CB];
	s10 =	sadd.s32 $0x10, s10;
	v7 =	vnsel vm2, $0x0, v7;
	v4 =	vadd.f32 v14, v4;
	vm3 =	vmmov vm1;
	s15 =	smov.u32 s13;
	s13 =	sadd.s32 $0x10, s13  }
0x98: {  	s11 =	sadd.s32 $0x10, s11;
	v14 =	vld [tilespmem:s10+$0x0];
	v15 =	vand.u32 $0x7FFFFFFF, v15;
	v10 =	vsub.f32 v12, v10;
	v5 =	vadd.f32 v18, v5  }
0x99: {  	v18 =	vnsel vm3, $0xFFFFFFFE, v3;
	v6 =	vadd.f32 v7, v6;
	v3 =	vld [tilespmem:s11+$0x0];
	v12 =	vadd.f32 v13, v15  }
0x9a: {  	vm0 =	veq.s32 v18, $0x1;
	v15 =	vld [tilespmem:s14+$0xFFFFE796];
	v10 =	vand.u32 $0x7FFFFFFF, v10;
	v9 =	vsub.f32 v11, v9  }
0x9b: {  	v11 =	vsel vm0, $0x3F800000, v1;
	v7 =	vld.idx.msk [tilespmem:v16+s2+$0x0], $0xffff;
	v12 =	vadd.f32 v10, v12  }
0x9c: {  	v2 =	vadd.f32 v11, v2;
	v19 =	vld [tilespmem:s10+$0xFFFFF3CB];
	v9 =	vand.u32 $0x7FFFFFFF, v9  }
.Ltmp1:
0x9d: {  	v11 =	vsub.f32 v14, v17;
	v10 =	vld [tilespmem:s14+$0x0];
	v13 =	vadd.f32 v9, v12;
	(pc) =	sbr.rel @p0 .LBB2_4-.Ltmp1, $4  }
0x9e: {  	v14 =	vor.u32 s15, v0;
	v12 =	vld [tilespmem:s10+$0xC35]  }
0x9f: {  	vm2 =	veq.s32 v18, $0x0;
	v16 =	vshll.u32 v14, $0x1;
	v9 =	vld [tilespmem:s14+$0xC35];
	v17 =	vmul.f32 v13, v8  }
0xa0: {  	s12 =	sadd.s32 $0x10, s12;
	vm1 =	vlt.u32 v14, $0xC35;
	v8 =	vadd.s32 v16, v3;
	v13 =	vand.u32 $0x7FFFFFFF, v11;
	v11 =	vld [tilespmem:s10+$0x186A]  }
0xa1: {  	s14 =	sadd.s32 $0x10, s14;
	v16 =	vnsel vm1, $0x0, v8;
	v8 =	vld [tilespmem:s12+$0x0];
	v15 =	vsub.f32 v19, v15;
	v14 =	vnsel vm3, $0x0, v17  }
0xa2: {  	_ =	sdelay $0x3  }
0xa3: {  	v16 =	vld.idx.msk [tilespmem:v16+s2+$0x0], $0xffff;
	_ =	swait.ge [sflag:s31], $0xC80  }
0xa4: {  	[sflag:s31] =	ssyncset.done $0x0  }
0xa5: {  	[sflag:s31] =	ssyncadd.s32 $0xFFFFF380  }
0xa6: {  	_ =	swait.ge [sflag:s31], $0x1880  }
0xa7: {  	[sflag:s31] =	ssyncset.done $0x0  }
0xa8: {  	[sflag:s31] =	ssyncadd.s32 $0xFFFFE780  }
0xa9: {  	_ =	swait.ge [sflag:s31], $0x3100  }
0xaa: {  	[sflag:s31] =	ssyncset.done $0x0  }
0xab: {  	[sflag:s31] =	ssyncadd.s32 $0xFFFFCF00  }
0xac: {  	_ =	swait.ge [sflag:s31], $0x3100  }
0xad: {  	[sflag:s31] =	ssyncset.done $0x0  }
0xae: {  	[sflag:s31] =	ssyncadd.s32 $0xFFFFCF00  }
0xaf: {  	_ =	swait.ge [sflag:s31], $0xC80  }
0xb0: {  	[sflag:s31] =	ssyncset.done $0x0  }
0xb1: {  	[sflag:s31] =	ssyncadd.s32 $0xFFFFF380  }
0xb2: {  	[tilespmem:s0], [sflag:$0x2] =	stream.strided.gather [hbm4b:s21+s25], $0xC80, s26, s25, $0x38;
	[tilespmem:$0x12900] =	vst v63  }
0xb3: {  	s10 =	rddreg [dreg:$0xd]  }
0xb4: {  	[tilespmem:s2], [sflag:$0x2] =	stream.strided.gather [hbm4b:s10+s25], $0x1880, s26, s25, $0x38;
	[tilespmem:$0x12900] =	vst v63  }
0xb5: {  	_ = 	snop  }
0xb6: {  	[tilespmem:s3], [sflag:$0x2] =	stream.strided.gather [hbm4b:s17+s25], $0x3100, s26, s25, $0x38;
	[tilespmem:$0x12900] =	vst v63  }
0xb7: {  	_ = 	snop  }
0xb8: {  	[tilespmem:s4], [sflag:$0x2] =	stream.strided.gather [hbm4b:s18+s25], $0x3100, s26, s25, $0x38;
	[tilespmem:$0x12900] =	vst v63  }
0xb9: {  	s13 =	simm.s32 $0x6E6A  }
0xba: {  	[tilespmem:s5], [sflag:$0x2] =	stream.strided.gather [hbm4b:s22+s25], $0xC80, s26, s25, $0x38;
	[tilespmem:$0x12900] =	vst v63  }
0xbb: {  	s11 =	simm.s32 $0x3135;
	v15 =	vand.u32 $0x7FFFFFFF, v15;
	v10 =	vsub.f32 v12, v10;
	v12 =	vld [tilespmem:s13+$0xFFFFF3CB]  }
0xbc: {  	s12 =	simm.s32 $0x0;
	v13 =	vadd.f32 v13, v15;
	v15 =	vld [tilespmem:s11+$0x0]  }
0xbd: {  	v10 =	vand.u32 $0x7FFFFFFF, v10;
	v9 =	vsub.f32 v11, v9;
	v11 =	vld [tilespmem:s12+$0x0]  }
0xbe: {  	v10 =	vadd.f32 v10, v13;
	v13 =	vld [tilespmem:s13+$0xFFFFE796]  }
0xbf: {  	v17 =	vnsel vm0, $0x0, v7;
	v4 =	vadd.f32 v14, v4;
	v9 =	vand.u32 $0x7FFFFFFF, v9;
	v14 =	vld [tilespmem:s11+$0xFFFFF3CB]  }
0xc0: {  	vm0 =	vmmov vm1;
	v17 =	vadd.f32 v17, v5;
	v5 =	vadd.f32 v9, v10;
	v9 =	vld [tilespmem:s13+$0x0]  }
0xc1: {  	v7 =	vnsel vm2, $0x0, v7;
	v3 =	vnsel vm0, $0xFFFFFFFE, v3;
	v10 =	vld [tilespmem:s11+$0xC35]  }
0xc2: {  	v7 =	vadd.f32 v7, v6;
	v6 =	vor.u32 s12, v0;
	v5 =	vmul.f32 v5, v8  }
0xc3: {  	vm1 =	veq.s32 v3, $0x1;
	vm2 =	vlt.u32 v6, $0xC35;
	v8 =	vshll.u32 v6, $0x1;
	v18 =	vld [tilespmem:s13+$0xC35]  }
0xc4: {  	s15 =	simm.s32 $0x6E7A;
	vm3 =	veq.s32 v3, $0x0;
	v5 =	vnsel vm0, $0x0, v5;
	v6 =	vadd.s32 v8, v11;
	v8 =	vld [tilespmem:s11+$0x186A]  }
0xc5: {  	s14 =	simm.s32 $0x8700;
	v19 =	vld [tilespmem:s15+$0xFFFFE796];
	v12 =	vsub.f32 v15, v12;
	v13 =	vsub.f32 v14, v13;
	v6 =	vnsel vm2, $0x0, v6  }
0xc6: {  	v5 =	vadd.f32 v5, v4;
	v15 =	vsel vm1, $0x3F800000, v1;
	v14 =	vld [tilespmem:s14+$0x0];
	v9 =	vsub.f32 v10, v9  }
0xc7: {  	s10 =	simm.s32 $0x3145;
	v2 =	vadd.f32 v15, v2;
	v15 =	vld [tilespmem:s15+$0xFFFFF3CB];
	v3 =	vand.u32 $0x7FFFFFFF, v12;
	v13 =	vand.u32 $0x7FFFFFFF, v13  }
0xc8: {  	s11 =	simm.s32 $0x10;
	v10 =	vnsel vm1, $0x0, v16;
	v16 =	vnsel vm3, $0x0, v16;
	v12 =	vld [tilespmem:s10+$0x0];
	v13 =	vadd.f32 v3, v13  }
0xc9: {  	vm3 =	vmmov vm2;
	v9 =	vand.u32 $0x7FFFFFFF, v9;
	v3 =	vld [tilespmem:s11+$0x0];
	v18 =	vsub.f32 v8, v18  }
0xca: {  	v11 =	vnsel vm3, $0xFFFFFFFE, v11;
	v4 =	vadd.f32 v16, v7;
	v9 =	vadd.f32 v9, v13;
	v8 =	vld.idx.msk [tilespmem:v6+s28+$0x0], $0xffff  }
0xcb: {  	vm0 =	veq.s32 v11, $0x1;
	v6 =	vadd.f32 v10, v17;
	v17 =	vld [tilespmem:s10+$0xFFFFF3CB];
	v13 =	vand.u32 $0x7FFFFFFF, v18  }
0xcc: {  	vm2 =	veq.s32 v11, $0x0;
	v11 =	vld [tilespmem:s10+$0x186A];
	v7 =	vsel vm0, $0x3F800000, v1;
	v13 =	vadd.f32 v13, v9  }
0xcd: {  	v2 =	vadd.f32 v7, v2;
	v10 =	vld [tilespmem:s15+$0x0];
	v7 =	vsub.f32 v12, v15;
	v15 =	vor.u32 s11, v0  }
0xce: {  	v12 =	vld [tilespmem:s10+$0xC35];
	v16 =	vshll.u32 v15, $0x1;
	v14 =	vmul.f32 v13, v14  }
0xcf: {  	s12 =	simm.s32 $0x8710;
	v9 =	vld [tilespmem:s15+$0xC35];
	vm1 =	vlt.u32 v15, $0xC35;
	v15 =	vadd.s32 v16, v3;
	v13 =	vand.u32 $0x7FFFFFFF, v7  }
0xd0: {  	s13 =	simm.s32 $0x20;
	s14 =	simm.s32 $0x6E8A;
	v15 =	vnsel vm1, $0x0, v15;
	v7 =	vld [tilespmem:s12+$0x0];
	v16 =	vsub.f32 v17, v19;
	v14 =	vnsel vm3, $0x0, v14  }
.LBB2_6:
0xd1: {  	p0 =	sne.s32 s13, $0xC30;
	v18 =	vnsel vm0, $0x0, v8  }
0xd2: {  	v17 =	vld [tilespmem:s14+$0xFFFFF3CB];
	s10 =	sadd.s32 $0x10, s10;
	v8 =	vnsel vm2, $0x0, v8;
	v5 =	vadd.f32 v14, v5;
	vm3 =	vmmov vm1;
	s15 =	smov.u32 s13;
	s13 =	sadd.s32 $0x10, s13  }
0xd3: {  	s11 =	sadd.s32 $0x10, s11;
	v14 =	vld [tilespmem:s10+$0x0];
	v16 =	vand.u32 $0x7FFFFFFF, v16;
	v10 =	vsub.f32 v12, v10;
	v6 =	vadd.f32 v18, v6  }
0xd4: {  	v18 =	vnsel vm3, $0xFFFFFFFE, v3;
	v4 =	vadd.f32 v8, v4;
	v3 =	vld [tilespmem:s11+$0x0];
	v12 =	vadd.f32 v13, v16  }
0xd5: {  	vm0 =	veq.s32 v18, $0x1;
	v16 =	vld [tilespmem:s14+$0xFFFFE796];
	v10 =	vand.u32 $0x7FFFFFFF, v10;
	v9 =	vsub.f32 v11, v9  }
0xd6: {  	v11 =	vsel vm0, $0x3F800000, v1;
	v8 =	vld.idx.msk [tilespmem:v15+s28+$0x0], $0xffff;
	v12 =	vadd.f32 v10, v12  }
0xd7: {  	v2 =	vadd.f32 v11, v2;
	v19 =	vld [tilespmem:s10+$0xFFFFF3CB];
	v9 =	vand.u32 $0x7FFFFFFF, v9  }
.Ltmp2:
0xd8: {  	v11 =	vsub.f32 v14, v17;
	v10 =	vld [tilespmem:s14+$0x0];
	v13 =	vadd.f32 v9, v12;
	(pc) =	sbr.rel @p0 .LBB2_6-.Ltmp2, $4  }
0xd9: {  	v14 =	vor.u32 s15, v0;
	v12 =	vld [tilespmem:s10+$0xC35]  }
0xda: {  	vm2 =	veq.s32 v18, $0x0;
	v15 =	vshll.u32 v14, $0x1;
	v9 =	vld [tilespmem:s14+$0xC35];
	v17 =	vmul.f32 v13, v7  }
0xdb: {  	s12 =	sadd.s32 $0x10, s12;
	vm1 =	vlt.u32 v14, $0xC35;
	v7 =	vadd.s32 v15, v3;
	v13 =	vand.u32 $0x7FFFFFFF, v11;
	v11 =	vld [tilespmem:s10+$0x186A]  }
0xdc: {  	s14 =	sadd.s32 $0x10, s14;
	v15 =	vnsel vm1, $0x0, v7;
	v7 =	vld [tilespmem:s12+$0x0];
	v16 =	vsub.f32 v19, v16;
	v14 =	vnsel vm3, $0x0, v17  }
0xdd: {  	_ =	sdelay $0x3  }
0xde: {  	v15 =	vld.idx.msk [tilespmem:v15+s28+$0x0], $0xffff;
	_ =	swait.ge [sflag:s6], $0xC80  }
0xdf: {  	[sflag:s6] =	ssyncset.done $0x0  }
0xe0: {  	[sflag:s6] =	ssyncadd.s32 $0xFFFFF380  }
0xe1: {  	_ =	swait.ge [sflag:s6], $0x1880  }
0xe2: {  	[sflag:s6] =	ssyncset.done $0x0  }
0xe3: {  	[sflag:s6] =	ssyncadd.s32 $0xFFFFE780  }
0xe4: {  	_ =	swait.ge [sflag:s6], $0x3100  }
0xe5: {  	[sflag:s6] =	ssyncset.done $0x0  }
0xe6: {  	[sflag:s6] =	ssyncadd.s32 $0xFFFFCF00  }
0xe7: {  	_ =	swait.ge [sflag:s6], $0x3100  }
0xe8: {  	[sflag:s6] =	ssyncset.done $0x0  }
0xe9: {  	[sflag:s6] =	ssyncadd.s32 $0xFFFFCF00  }
0xea: {  	_ =	swait.ge [sflag:s6], $0xC80  }
0xeb: {  	[sflag:s6] =	ssyncset.done $0x0  }
0xec: {  	s10 =	simm.s32 $0x101EA;
	[sflag:s6] =	ssyncadd.s32 $0xFFFFF380  }
0xed: {  	s11 =	simm.s32 $0xC4B5;
	v16 =	vand.u32 $0x7FFFFFFF, v16;
	v10 =	vsub.f32 v12, v10;
	v12 =	vld [tilespmem:s10+$0xFFFFF3CB]  }
0xee: {  	s12 =	simm.s32 $0x9380;
	v13 =	vadd.f32 v13, v16;
	v16 =	vld [tilespmem:s11+$0x0]  }
0xef: {  	v10 =	vand.u32 $0x7FFFFFFF, v10;
	v9 =	vsub.f32 v11, v9;
	v11 =	vld [tilespmem:s12+$0x0]  }
0xf0: {  	v10 =	vadd.f32 v10, v13;
	v13 =	vld [tilespmem:s10+$0xFFFFE796]  }
0xf1: {  	v5 =	vadd.f32 v14, v5;
	v9 =	vand.u32 $0x7FFFFFFF, v9;
	v14 =	vld [tilespmem:s11+$0xFFFFF3CB]  }
0xf2: {  	v17 =	vnsel vm0, $0x0, v8;
	v9 =	vadd.f32 v9, v10;
	v10 =	vld [tilespmem:s10+$0x0]  }
0xf3: {  	v8 =	vnsel vm2, $0x0, v8;
	vm0 =	vmmov vm1;
	s13 =	simm.s32 $0x0;
	v6 =	vadd.f32 v17, v6;
	v17 =	vld [tilespmem:s11+$0xC35]  }
0xf4: {  	v3 =	vnsel vm0, $0xFFFFFFFE, v3;
	v4 =	vadd.f32 v8, v4;
	v8 =	vor.u32 s13, v0  }
0xf5: {  	vm1 =	veq.s32 v3, $0x1;
	v7 =	vmul.f32 v9, v7;
	v9 =	vshll.u32 v8, $0x1;
	v18 =	vld [tilespmem:s10+$0xC35]  }
0xf6: {  	s15 =	simm.s32 $0x101FA;
	vm2 =	vlt.u32 v8, $0xC35;
	v12 =	vsub.f32 v16, v12;
	v8 =	vadd.s32 v9, v11;
	v9 =	vld [tilespmem:s11+$0x186A]  }
0xf7: {  	s14 =	simm.s32 $0x11A80;
	v19 =	vld [tilespmem:s15+$0xFFFFF3CB];
	v16 =	vsel vm1, $0x3F800000, v1;
	v13 =	vsub.f32 v14, v13;
	v8 =	vnsel vm2, $0x0, v8  }
0xf8: {  	vm3 =	veq.s32 v3, $0x0;
	s10 =	simm.s32 $0xC4C5;
	v14 =	vld [tilespmem:s14+$0x0];
	v10 =	vsub.f32 v17, v10;
	v16 =	vadd.f32 v16, v2  }
0xf9: {  	s11 =	simm.s32 $0x9390;
	v2 =	vnsel vm0, $0x0, v7;
	v3 =	vand.u32 $0x7FFFFFFF, v12;
	v12 =	vld [tilespmem:s10+$0x0];
	v7 =	vand.u32 $0x7FFFFFFF, v13  }
0xfa: {  	v13 =	vnsel vm1, $0x0, v15;
	v15 =	vnsel vm3, $0x0, v15;
	v17 =	vadd.f32 v3, v7;
	v3 =	vld [tilespmem:s11+$0x0]  }
0xfb: {  	vm1 =	vmmov vm2;
	v10 =	vand.u32 $0x7FFFFFFF, v10;
	v9 =	vsub.f32 v9, v18;
	v18 =	vld [tilespmem:s15+$0xFFFFE796]  }
0xfc: {  	v2 =	vadd.f32 v2, v5;
	v20 =	vnsel vm1, $0xFFFFFFFE, v11;
	v7 =	vld.idx.msk [tilespmem:v8+s2+$0x0], $0xffff;
	v8 =	vadd.f32 v10, v17  }
0xfd: {  	s13 =	simm.s32 $0x10;
	v5 =	vadd.f32 v13, v6;
	v6 =	vadd.f32 v15, v4;
	v17 =	vld [tilespmem:s10+$0xFFFFF3CB];
	v9 =	vand.u32 $0x7FFFFFFF, v9  }
0xfe: {  	v13 =	vor.u32 s13, v0;
	v11 =	vld [tilespmem:s10+$0xC35];
	vm0 =	veq.s32 v20, $0x1;
	v8 =	vadd.f32 v9, v8  }
0xff: {  	v15 =	vshll.u32 v13, $0x1;
	vm2 =	veq.s32 v20, $0x0;
	v10 =	vld [tilespmem:s15+$0x0];
	v12 =	vsub.f32 v12, v19  }
0x100: {  	vm3 =	vlt.u32 v13, $0xC35;
	v4 =	vsel vm0, $0x3F800000, v1;
	v9 =	vld [tilespmem:s15+$0xC35];
	v19 =	vmul.f32 v8, v14  }
0x101: {  	s12 =	simm.s32 $0x11A90;
	v4 =	vadd.f32 v4, v16;
	v8 =	vadd.s32 v15, v3;
	v14 =	vand.u32 $0x7FFFFFFF, v12;
	v12 =	vld [tilespmem:s10+$0x186A]  }
0x102: {  	s14 =	simm.s32 $0x1020A;
	s13 =	simm.s32 $0x20;
	v13 =	vnsel vm3, $0x0, v8;
	v8 =	vld [tilespmem:s12+$0x0];
	v16 =	vsub.f32 v17, v18;
	v15 =	vnsel vm1, $0x0, v19  }
.LBB2_8:
0x103: {  	p0 =	sne.s32 s13, $0xC30;
	v18 =	vnsel vm0, $0x0, v7  }
0x104: {  	v17 =	vld [tilespmem:s14+$0xFFFFF3CB];
	s10 =	sadd.s32 $0x10, s10;
	v7 =	vnsel vm2, $0x0, v7;
	v2 =	vadd.f32 v15, v2;
	vm1 =	vmmov vm3;
	s15 =	smov.u32 s13;
	s13 =	sadd.s32 $0x10, s13  }
0x105: {  	s11 =	sadd.s32 $0x10, s11;
	v15 =	vld [tilespmem:s10+$0x0];
	v16 =	vand.u32 $0x7FFFFFFF, v16;
	v10 =	vsub.f32 v11, v10;
	v5 =	vadd.f32 v18, v5  }
0x106: {  	v18 =	vnsel vm1, $0xFFFFFFFE, v3;
	v6 =	vadd.f32 v7, v6;
	v3 =	vld [tilespmem:s11+$0x0];
	v11 =	vadd.f32 v14, v16  }
0x107: {  	vm0 =	veq.s32 v18, $0x1;
	v16 =	vld [tilespmem:s14+$0xFFFFE796];
	v10 =	vand.u32 $0x7FFFFFFF, v10;
	v9 =	vsub.f32 v12, v9  }
0x108: {  	v12 =	vsel vm0, $0x3F800000, v1;
	v7 =	vld.idx.msk [tilespmem:v13+s2+$0x0], $0xffff;
	v11 =	vadd.f32 v10, v11  }
0x109: {  	v4 =	vadd.f32 v12, v4;
	v19 =	vld [tilespmem:s10+$0xFFFFF3CB];
	v9 =	vand.u32 $0x7FFFFFFF, v9  }
.Ltmp3:
0x10a: {  	v12 =	vsub.f32 v15, v17;
	v10 =	vld [tilespmem:s14+$0x0];
	v13 =	vadd.f32 v9, v11;
	(pc) =	sbr.rel @p0 .LBB2_8-.Ltmp3, $4  }
0x10b: {  	v14 =	vor.u32 s15, v0;
	v11 =	vld [tilespmem:s10+$0xC35]  }
0x10c: {  	vm2 =	veq.s32 v18, $0x0;
	v15 =	vshll.u32 v14, $0x1;
	v9 =	vld [tilespmem:s14+$0xC35];
	v17 =	vmul.f32 v13, v8  }
0x10d: {  	s12 =	sadd.s32 $0x10, s12;
	vm3 =	vlt.u32 v14, $0xC35;
	v8 =	vadd.s32 v15, v3;
	v14 =	vand.u32 $0x7FFFFFFF, v12;
	v12 =	vld [tilespmem:s10+$0x186A]  }
0x10e: {  	s14 =	sadd.s32 $0x10, s14;
	v13 =	vnsel vm3, $0x0, v8;
	v8 =	vld [tilespmem:s12+$0x0];
	v16 =	vsub.f32 v19, v16;
	v15 =	vnsel vm1, $0x0, v17  }
0x10f: {  	_ =	sdelay $0x1  }
0x110: {  	v16 =	vand.u32 $0x7FFFFFFF, v16;
	v10 =	vsub.f32 v11, v10  }
0x111: {  	v57 =	vadd.f32 v14, v16  }
0x112: {  	v13 =	vld.idx.msk [tilespmem:v13+s2+$0x0], $0xffff;
	v10 =	vand.u32 $0x7FFFFFFF, v10;
	v9 =	vsub.f32 v12, v9  }
0x113: {  	v58 =	vnsel vm0, $0x0, v7;
	vm14 =	vmmov vm3;
	v10 =	vadd.f32 v10, v57  }
0x114: {  	v59 =	vnsel vm2, $0x0, v7;
	v3 =	vnsel vm14, $0xFFFFFFFE, v3;
	v9 =	vand.u32 $0x7FFFFFFF, v9  }
0x115: {  	v5 =	vadd.f32 v58, v5;
	vm1 =	veq.s32 v3, $0x1;
	v9 =	vadd.f32 v9, v10  }
0x116: {  	v6 =	vadd.f32 v59, v6;
	vm15 =	veq.s32 v3, $0x0;
	v62 =	vsel vm1, $0x3F800000, v1  }
0x117: {  	v4 =	vadd.f32 v62, v4;
	v3 =	vnsel vm1, $0x0, v13;
	v60 =	vmul.f32 v9, v8  }
0x118: {  	v2 =	vadd.f32 v15, v2;
	v61 =	vnsel vm15, $0x0, v13;
	v3 =	vadd.f32 v3, v5  }
0x119: {  	v6 =	vadd.f32 v61, v6;
	[tilespmem:$0x12800] =	vst v4;
	v63 =	vnsel vm14, $0x0, v60  }
0x11a: {  	s9 =	sadd.s32 $0x1, s9;
	[tilespmem:$0x12700] =	vst v3;
	v2 =	vadd.f32 v63, v2  }
0x11b: {  	p0 =	sne.s32 s9, s24;
	[tilespmem:$0x12780] =	vst v6  }
.Ltmp4:
0x11c: {  	s10 =	simm.s32 $0x12700;
	[tilespmem:$0x12880] =	vst v2;
	(pc) =	sbr.rel @p0 .LBB2_1-.Ltmp4, $4  }
0x11d: {  	[hbm4b:s23+s1] =	stream.linear.scatter [tilespmem:s10], [sflag:$0x3], $0x200, $0x38;
	[tilespmem:$0x12900] =	vst v63  }
0x11e: {  	_ =	swait.ge [sflag:s8], $0x200  }
0x11f: {  	[sflag:s8] =	ssyncset.done $0x0  }
0x120: {  	[sflag:s8] =	ssyncadd.s32 $0xFFFFFE00  }
0x121: {  	_ =	sfence.sel $0x180000  }
0x122: {  	[bflag:$0x0] =	sbarrier.arrive $0xFFFF  }
0x123: {  	_ =	strace $0x90000047  }
0x124: {  	s0 =	stileid.u32;
	[bflag:$0x2] =	sbarrier.arrive $0xFFFF  }
0x125: {  	p0 =	sne.s32 s0, $0x0;
	s0 =	rddreg [dreg:$0x1]  }
0x126: {  	s0 =	sadd.s32 @!p0 $0x100000, s0  }
0x127: {  	[sflag:s0] =	ssyncadd.tile.s32 @!p0 $0x1;
	_ =	shalt  }
.Lfunc_end2:
_tile_overlayer_lowered:
.L_overlay_start_2:
0x128: {  	(tag) =	ssettag $0x2  }
0x129: {  	s0 =	rddreg [dreg:$0x0];
	s2 =	stileid.u32  }
0x12a: {  	s1 =	rddreg [dreg:$0x1];
	p0 =	sne.s32 s2, $0x0  }
0x12b: {  	s3 =	rddreg [dreg:$0x2];
	[bflag:$0x3] =	sbarrier.arrive $0xFFFF;
	s2 =	simm.s32 @!p0 $0x1C03  }
0x12c: {  	[timem:s3], [sflag:s2] =	dma.local @!p0 [hbm:s0], s1  }
0x12d: {  	s0 =	simm.s32 @!p0 $0x3  }
0x12e: {  	_ =	swait.ge @!p0 [sflag:s0], s1  }
0x12f: {  	s1 =	ssub.s32 @!p0 $0x0, s1;
	[sflag:s0] =	ssyncset.done @!p0 $0x0  }
0x130: {  	[sflag:s0] =	ssyncadd.s32 @!p0 s1  }
0x131: {  	[bflag:$0x3] =	sbarrier.arrive $0xFFFF  }
0x132: {  	_ =	shalt  }

</sc_bundles>
